<compile_context>
chip_gen: v7x
topology: tpu7x:2x2x1
jax: 0.10.2.dev20260603
libtpu: 0.0.44.dev20260713+nightly
codegen_flags: <defaults>
</compile_context>

<pallas_src>
import functools

import jax
import jax.numpy as jnp
from jax import lax
from jax.experimental import pallas as pl
from jax.experimental.pallas import tpu as pltpu
from jax.experimental.pallas import tpu_sc as plsc

N_NODES = 10000
N_EDGES = 320000
D_FEAT = 128

NUM_CORES = 2
NUM_SUBCORES = 16
NUM_WORKERS = NUM_CORES * NUM_SUBCORES

BLK = 128
NBLOCKS = N_EDGES // BLK
NB = 80
NB_LAST = NBLOCKS - (NUM_WORKERS - 1) * NB
N_PAD = NUM_SUBCORES * 640
ZROWS = 640
NBUF = 2
NB_CHUNK = 40


def _sc_body(x_hbm, edges_hbm, out_hbm, src_v, dst_v, rows_v, acc_sh, sem):
  c = lax.axis_index("c")
  s = lax.axis_index("s")
  w = c * NUM_SUBCORES + s
  is_last = w == NUM_WORKERS - 1
  srcs_hbm = edges_hbm.at[0]
  dsts_hbm = edges_hbm.at[1]

  zv = jnp.zeros((16,), jnp.float32)

  def zstep(i, carry):
    for j in range(8):
      rows_v[0, i, pl.ds(j * 16, 16)] = zv
    return carry

  lax.fori_loop(0, BLK, zstep, 0)
  for r in range(ZROWS // BLK):
    pltpu.sync_copy(rows_v.at[0],
                    acc_sh.at[pl.ds(s * ZROWS + r * BLK, BLK)])
  plsc.subcore_barrier()

  def gather_half(b, k, half):
    return pltpu.make_async_copy(
        x_hbm.at[src_v.at[b].at[pl.ds(64 * half, 64)]],
        rows_v.at[k].at[pl.ds(64 * half, 64)],
        sem.at[2 * k + half])

  def gather_start(b, k):
    gather_half(b, k, 0).start()
    gather_half(b, k, 1).start()

  def gather_wait(b, k):
    gather_half(b, k, 0).wait()
    gather_half(b, k, 1).wait()

  def run_chunk(start_blk, n_blk):
    pltpu.sync_copy(srcs_hbm.at[pl.ds(start_blk, n_blk)],
                    src_v.at[pl.ds(0, n_blk)])
    pltpu.sync_copy(dsts_hbm.at[pl.ds(start_blk, n_blk)],
                    dst_v.at[pl.ds(0, n_blk)])

    for k in range(NBUF):
      gather_start(k, k)

    def step(i, carry):
      for k in range(NBUF):
        b = i * NBUF + k
        gather_wait(b, k)
        pltpu.sync_copy(rows_v.at[k], acc_sh.at[dst_v.at[b]], add=True)

        @pl.when(b + NBUF < n_blk)
        def _():
          gather_start(b + NBUF, k)
      return carry

    lax.fori_loop(0, n_blk // NBUF, step, 0)

  base = pl.multiple_of(w * NB, 8)

  @pl.when(jnp.logical_not(is_last))
  def _():
    for h in range(NB // NB_CHUNK):
      run_chunk(base + h * NB_CHUNK, NB_CHUNK)

  @pl.when(is_last)
  def _():
    run_chunk(base, NB_LAST)

  plsc.subcore_barrier()
  pltpu.sync_copy(acc_sh.at[pl.ds(s * ZROWS, ZROWS)],
                  out_hbm.at[c].at[pl.ds(s * ZROWS, ZROWS)])


@functools.partial(
    pl.kernel,
    out_type=jax.ShapeDtypeStruct((NUM_CORES, N_PAD, D_FEAT), jnp.float32),
    mesh=plsc.VectorSubcoreMesh(core_axis_name="c", subcore_axis_name="s"),
    scratch_types=[
        pltpu.VMEM((NB_CHUNK, BLK), jnp.int32),
        pltpu.VMEM((NB_CHUNK, BLK), jnp.int32),
        pltpu.VMEM((NBUF, BLK, D_FEAT), jnp.float32),
        pltpu.VMEM_SHARED((N_PAD, D_FEAT), jnp.float32),
        pltpu.SemaphoreType.DMA((2 * NBUF,)),
    ],
    compiler_params=pltpu.CompilerParams(use_tc_tiling_on_sc=False),
)
def _mp_scatter_kernel(x_hbm, edges_hbm, out_hbm,
                       src_v, dst_v, rows_v, acc_sh, sem):
  _sc_body(x_hbm, edges_hbm, out_hbm, src_v, dst_v, rows_v, acc_sh, sem)


def _combine_body(a_ref, b_ref, o_ref):
  o_ref[...] = a_ref[...] + b_ref[...]


def _combine(partials):
  blk = 1000
  return pl.pallas_call(
      _combine_body,
      grid=(N_NODES // blk,),
      in_specs=[
          pl.BlockSpec((blk, D_FEAT), lambda i: (i, 0)),
          pl.BlockSpec((blk, D_FEAT), lambda i: (i, 0)),
      ],
      out_specs=pl.BlockSpec((blk, D_FEAT), lambda i: (i, 0)),
      out_shape=jax.ShapeDtypeStruct((N_NODES, D_FEAT), jnp.float32),
  )(partials[0], partials[1])


@jax.jit
def kernel(x, edge_index):
  edges = edge_index.astype(jnp.int32).reshape(2, NBLOCKS, BLK)
  partials = _mp_scatter_kernel(x, edges)
  return _combine(partials)

# --- scband reference (transcript-rebuilt; emitter-appended) ---
"""Pipeline reference for scband-message-passing-7189775253659 (READ-ONLY COPY).

The authoritative reference and input builder live on the scoring server;
editing this copy changes nothing except your own understanding.
"""

import jax, jax.numpy as jnp
import numpy as np

N_NODES = 10000
N_EDGES = 320000
D_FEAT = 128


def setup_inputs(seed: int = 0) -> dict:
    key = jax.random.key(seed)
    k1, k2 = jax.random.split(key)
    x = jax.random.normal(k1, (N_NODES, D_FEAT), dtype=jnp.float32)
    edge_index = jax.random.randint(k2, (2, N_EDGES), 0, N_NODES, dtype=jnp.int64)
    return {"x": x, "edge_index": edge_index}


def reference(x, edge_index):
    # MessagePassing with aggr='sum', flow='source_to_target', node_dim=-2.
    # propagate(edge_index, x=x):
    #   message(x_j) = x_j  (gather source-node features along edges)
    #   aggregate     = scatter-add of messages into destination nodes
    #   update(out)   = out (identity)
    src = edge_index[0]  # j: source nodes (messages flow source -> target)
    dst = edge_index[1]  # i: target nodes
    messages = jnp.take(x, src, axis=0)          # gather: [E, d_feat]
    out = jax.ops.segment_sum(messages, dst, num_segments=x.shape[0])  # scatter-add
    return out

if __name__ == "__main__":
    import jax
    _d = setup_inputs()
    print(jax.jit(kernel)(*tuple(_d.values())))

</pallas_src>

<mosaic_0001>
#map = affine_map<(d0, d1) -> (0, 0)>
#map1 = affine_map<(d0, d1) -> (0, 0, 0)>
module attributes {stable_mosaic.version = 14 : i64} {
  func.func @_mp_scatter_kernel(%arg0: i32, %arg1: i32, %arg2: memref<10000x128xf32, #tpu.memory_space<hbm>>, %arg3: memref<2x2500x128xi32, #tpu.memory_space<hbm>>, %arg4: memref<2x10240x128xf32, #tpu.memory_space<hbm>>, %arg5: memref<40x128xi32, #tpu.memory_space<vmem>>, %arg6: memref<40x128xi32, #tpu.memory_space<vmem>>, %arg7: memref<2x128x128xf32, #tpu.memory_space<vmem>>, %arg8: memref<10240x128xf32, #tpu.memory_space<vmem_shared>>, %arg9: memref<4x!tpu.dma_semaphore, #tpu.memory_space<semaphore_mem>>) attributes {dimension_semantics = [#tpu.dimension_semantics<core_parallel>, #tpu.dimension_semantics<subcore_parallel>], iteration_bounds = array<i64: 2, 16>, scalar_prefetch = 0 : i64, scratch_operands = 5 : i64, tpu.core_type = #tpu.core_type<sc_vector_subcore>, window_params = [{transform_indices = #map}, {transform_indices = #map1}, {transform_indices = #map1}]} {
    %mul3A = arith.constant 16 : i32
    %mul3A_0 = arith.muli %arg0, %mul3A : i32
    %add3A = arith.addi %mul3A_0, %arg1 : i32
    %eq3A = arith.constant 31 : i32
    %eq3A_1 = arith.cmpi eq, %add3A, %eq3A : i32
    %broadcast_in_dim3A = arith.constant 0.000000e+00 : f32
    %broadcast_in_dim3A_2 = vector.broadcast %broadcast_in_dim3A : f32 to vector<16xf32>
    %scan3A = arith.constant 0 : i32
    %scan3A_3 = arith.constant 0 : i32
    %scan3A_4 = arith.constant 128 : i32
    %scan3A_5 = arith.addi %scan3A_3, %scan3A_4 : i32
    %scan3A_6 = arith.constant 1 : i32
    scf.for %scan3A_48 = %scan3A_3 to %scan3A_5 step %scan3A_6  : i32 {
      %swap3A = arith.constant 0 : i32
      %swap3A_49 = arith.index_cast %swap3A : i32 to index
      %swap3A_50 = arith.index_cast %scan3A_48 : i32 to index
      %swap3A_51 = arith.constant 0 : index
      %swap3A_52 = tpu.vector_load %arg7[%swap3A_49, %swap3A_50, %swap3A_51] {strides = array<i32>} : memref<2x128x128xf32, #tpu.memory_space<vmem>>, vector<1x1x16xf32>,
      %swap3A_53 = vector.shape_cast %swap3A_52 : vector<1x1x16xf32> to vector<16xf32>
      %swap3A_54 = vector.shape_cast %broadcast_in_dim3A_2 : vector<16xf32> to vector<1x1x16xf32>
      tpu.vector_store %arg7[%swap3A_49, %swap3A_50, %swap3A_51], %swap3A_54 {strides = array<i32>} : memref<2x128x128xf32, #tpu.memory_space<vmem>>, vector<1x1x16xf32>,
      %swap3A_55 = arith.constant 0 : i32
      %swap3A_56 = arith.index_cast %swap3A_55 : i32 to index
      %swap3A_57 = arith.index_cast %scan3A_48 : i32 to index
      %swap3A_58 = arith.constant 16 : index
      %swap3A_59 = tpu.vector_load %arg7[%swap3A_56, %swap3A_57, %swap3A_58] {strides = array<i32>} : memref<2x128x128xf32, #tpu.memory_space<vmem>>, vector<1x1x16xf32>,
      %swap3A_60 = vector.shape_cast %swap3A_59 : vector<1x1x16xf32> to vector<16xf32>
      %swap3A_61 = vector.shape_cast %broadcast_in_dim3A_2 : vector<16xf32> to vector<1x1x16xf32>
      tpu.vector_store %arg7[%swap3A_56, %swap3A_57, %swap3A_58], %swap3A_61 {strides = array<i32>} : memref<2x128x128xf32, #tpu.memory_space<vmem>>, vector<1x1x16xf32>,
      %swap3A_62 = arith.constant 0 : i32
      %swap3A_63 = arith.index_cast %swap3A_62 : i32 to index
      %swap3A_64 = arith.index_cast %scan3A_48 : i32 to index
      %swap3A_65 = arith.constant 32 : index
      %swap3A_66 = tpu.vector_load %arg7[%swap3A_63, %swap3A_64, %swap3A_65] {strides = array<i32>} : memref<2x128x128xf32, #tpu.memory_space<vmem>>, vector<1x1x16xf32>,
      %swap3A_67 = vector.shape_cast %swap3A_66 : vector<1x1x16xf32> to vector<16xf32>
      %swap3A_68 = vector.shape_cast %broadcast_in_dim3A_2 : vector<16xf32> to vector<1x1x16xf32>
      tpu.vector_store %arg7[%swap3A_63, %swap3A_64, %swap3A_65], %swap3A_68 {strides = array<i32>} : memref<2x128x128xf32, #tpu.memory_space<vmem>>, vector<1x1x16xf32>,
      %swap3A_69 = arith.constant 0 : i32
      %swap3A_70 = arith.index_cast %swap3A_69 : i32 to index
      %swap3A_71 = arith.index_cast %scan3A_48 : i32 to index
      %swap3A_72 = arith.constant 48 : index
      %swap3A_73 = tpu.vector_load %arg7[%swap3A_70, %swap3A_71, %swap3A_72] {strides = array<i32>} : memref<2x128x128xf32, #tpu.memory_space<vmem>>, vector<1x1x16xf32>,
      %swap3A_74 = vector.shape_cast %swap3A_73 : vector<1x1x16xf32> to vector<16xf32>
      %swap3A_75 = vector.shape_cast %broadcast_in_dim3A_2 : vector<16xf32> to vector<1x1x16xf32>
      tpu.vector_store %arg7[%swap3A_70, %swap3A_71, %swap3A_72], %swap3A_75 {strides = array<i32>} : memref<2x128x128xf32, #tpu.memory_space<vmem>>, vector<1x1x16xf32>,
      %swap3A_76 = arith.constant 0 : i32
      %swap3A_77 = arith.index_cast %swap3A_76 : i32 to index
      %swap3A_78 = arith.index_cast %scan3A_48 : i32 to index
      %swap3A_79 = arith.constant 64 : index
      %swap3A_80 = tpu.vector_load %arg7[%swap3A_77, %swap3A_78, %swap3A_79] {strides = array<i32>} : memref<2x128x128xf32, #tpu.memory_space<vmem>>, vector<1x1x16xf32>,
      %swap3A_81 = vector.shape_cast %swap3A_80 : vector<1x1x16xf32> to vector<16xf32>
      %swap3A_82 = vector.shape_cast %broadcast_in_dim3A_2 : vector<16xf32> to vector<1x1x16xf32>
      tpu.vector_store %arg7[%swap3A_77, %swap3A_78, %swap3A_79], %swap3A_82 {strides = array<i32>} : memref<2x128x128xf32, #tpu.memory_space<vmem>>, vector<1x1x16xf32>,
      %swap3A_83 = arith.constant 0 : i32
      %swap3A_84 = arith.index_cast %swap3A_83 : i32 to index
      %swap3A_85 = arith.index_cast %scan3A_48 : i32 to index
      %swap3A_86 = arith.constant 80 : index
      %swap3A_87 = tpu.vector_load %arg7[%swap3A_84, %swap3A_85, %swap3A_86] {strides = array<i32>} : memref<2x128x128xf32, #tpu.memory_space<vmem>>, vector<1x1x16xf32>,
      %swap3A_88 = vector.shape_cast %swap3A_87 : vector<1x1x16xf32> to vector<16xf32>
      %swap3A_89 = vector.shape_cast %broadcast_in_dim3A_2 : vector<16xf32> to vector<1x1x16xf32>
      tpu.vector_store %arg7[%swap3A_84, %swap3A_85, %swap3A_86], %swap3A_89 {strides = array<i32>} : memref<2x128x128xf32, #tpu.memory_space<vmem>>, vector<1x1x16xf32>,
      %swap3A_90 = arith.constant 0 : i32
      %swap3A_91 = arith.index_cast %swap3A_90 : i32 to index
      %swap3A_92 = arith.index_cast %scan3A_48 : i32 to index
      %swap3A_93 = arith.constant 96 : index
      %swap3A_94 = tpu.vector_load %arg7[%swap3A_91, %swap3A_92, %swap3A_93] {strides = array<i32>} : memref<2x128x128xf32, #tpu.memory_space<vmem>>, vector<1x1x16xf32>,
      %swap3A_95 = vector.shape_cast %swap3A_94 : vector<1x1x16xf32> to vector<16xf32>
      %swap3A_96 = vector.shape_cast %broadcast_in_dim3A_2 : vector<16xf32> to vector<1x1x16xf32>
      tpu.vector_store %arg7[%swap3A_91, %swap3A_92, %swap3A_93], %swap3A_96 {strides = array<i32>} : memref<2x128x128xf32, #tpu.memory_space<vmem>>, vector<1x1x16xf32>,
      %swap3A_97 = arith.constant 0 : i32
      %swap3A_98 = arith.index_cast %swap3A_97 : i32 to index
      %swap3A_99 = arith.index_cast %scan3A_48 : i32 to index
      %swap3A_100 = arith.constant 112 : index
      %swap3A_101 = tpu.vector_load %arg7[%swap3A_98, %swap3A_99, %swap3A_100] {strides = array<i32>} : memref<2x128x128xf32, #tpu.memory_space<vmem>>, vector<1x1x16xf32>,
      %swap3A_102 = vector.shape_cast %swap3A_101 : vector<1x1x16xf32> to vector<16xf32>
      %swap3A_103 = vector.shape_cast %broadcast_in_dim3A_2 : vector<16xf32> to vector<1x1x16xf32>
      tpu.vector_store %arg7[%swap3A_98, %swap3A_99, %swap3A_100], %swap3A_103 {strides = array<i32>} : memref<2x128x128xf32, #tpu.memory_space<vmem>>, vector<1x1x16xf32>,
    }
    %scan3A_7 = arith.constant 128 : i32
    %mul3A_8 = arith.constant 640 : i32
    %mul3A_9 = arith.muli %arg1, %mul3A_8 : i32
    %add3A_10 = arith.constant 0 : i32
    %add3A_11 = arith.addi %mul3A_9, %add3A_10 : i32
    %run_scoped3A = arith.constant 0 : i32
    "tpu.region"() ({
      %run_scoped3A_48 = tpu.sem_alloc : memref<!tpu.dma_semaphore, #tpu.memory_space<semaphore_mem>>
      %dma_start3A = arith.constant 0 : i32
      %dma_start3A_49 = arith.constant 0 : i32
      %dma_start3A_50 = tpu.memref_slice %arg7[%run_scoped3A, %dma_start3A, %dma_start3A_49] : memref<2x128x128xf32, #tpu.memory_space<vmem>> -> memref<1x128x128xf32, #tpu.memory_space<vmem>>
      %dma_start3A_51 = tpu.memref_squeeze %dma_start3A_50 : memref<1x128x128xf32, #tpu.memory_space<vmem>> -> memref<128x128xf32, #tpu.memory_space<vmem>>
      %dma_start3A_52 = arith.constant 0 : i32
      %dma_start3A_53 = tpu.memref_slice %arg8[%add3A_11, %dma_start3A_52] : memref<10240x128xf32, #tpu.memory_space<vmem_shared>> -> memref<128x128xf32, #tpu.memory_space<vmem_shared>>
      %dma_start3A_54 = arith.constant 0 : i32
      %dma_start3A_55 = tpu.memref_slice %arg8[%add3A_11, %dma_start3A_54] : memref<10240x128xf32, #tpu.memory_space<vmem_shared>> -> memref<128x128xf32, #tpu.memory_space<vmem_shared>>
      %dma_start3A_56 = arith.constant 0 : i32
      %dma_start3A_57 = arith.constant 0 : i32
      %dma_start3A_58 = tpu.memref_slice %arg7[%run_scoped3A, %dma_start3A_56, %dma_start3A_57] : memref<2x128x128xf32, #tpu.memory_space<vmem>> -> memref<1x128x128xf32, #tpu.memory_space<vmem>>
      %dma_start3A_59 = tpu.memref_squeeze %dma_start3A_58 : memref<1x128x128xf32, #tpu.memory_space<vmem>> -> memref<128x128xf32, #tpu.memory_space<vmem>>
      tpu.enqueue_dma source(%dma_start3A_59 : memref<128x128xf32, #tpu.memory_space<vmem>>) target(%dma_start3A_55 : memref<128x128xf32, #tpu.memory_space<vmem_shared>>) target_semaphore(%run_scoped3A_48 : memref<!tpu.dma_semaphore, #tpu.memory_space<semaphore_mem>>)
      %dma_wait3A = arith.constant 0 : i32
      %dma_wait3A_60 = arith.constant 0 : i32
      %dma_wait3A_61 = tpu.memref_slice %arg7[%run_scoped3A, %dma_wait3A, %dma_wait3A_60] : memref<2x128x128xf32, #tpu.memory_space<vmem>> -> memref<1x128x128xf32, #tpu.memory_space<vmem>>
      %dma_wait3A_62 = tpu.memref_squeeze %dma_wait3A_61 : memref<1x128x128xf32, #tpu.memory_space<vmem>> -> memref<128x128xf32, #tpu.memory_space<vmem>>
      %dma_wait3A_63 = arith.constant 0 : i32
      %dma_wait3A_64 = tpu.memref_slice %arg8[%add3A_11, %dma_wait3A_63] : memref<10240x128xf32, #tpu.memory_space<vmem_shared>> -> memref<128x128xf32, #tpu.memory_space<vmem_shared>>
      %dma_wait3A_65 = arith.constant 0 : i32
      %dma_wait3A_66 = tpu.memref_slice %arg8[%add3A_11, %dma_wait3A_65] : memref<10240x128xf32, #tpu.memory_space<vmem_shared>> -> memref<128x128xf32, #tpu.memory_space<vmem_shared>>
      %dma_wait3A_67 = arith.constant 0 : i32
      %dma_wait3A_68 = arith.constant 0 : i32
      %dma_wait3A_69 = tpu.memref_slice %arg7[%run_scoped3A, %dma_wait3A_67, %dma_wait3A_68] : memref<2x128x128xf32, #tpu.memory_space<vmem>> -> memref<1x128x128xf32, #tpu.memory_space<vmem>>
      %dma_wait3A_70 = tpu.memref_squeeze %dma_wait3A_69 : memref<1x128x128xf32, #tpu.memory_space<vmem>> -> memref<128x128xf32, #tpu.memory_space<vmem>>
      tpu.wait_dma2 semaphore(%run_scoped3A_48 : memref<!tpu.dma_semaphore, #tpu.memory_space<semaphore_mem>>) src(%dma_wait3A_70 : memref<128x128xf32, #tpu.memory_space<vmem>>) dst(%dma_wait3A_66 : memref<128x128xf32, #tpu.memory_space<vmem_shared>>)
      tpu.yield
    }) : () -> ()
    %mul3A_12 = arith.constant 640 : i32
    %mul3A_13 = arith.muli %arg1, %mul3A_12 : i32
    %add3A_14 = arith.constant 128 : i32
    %add3A_15 = arith.addi %mul3A_13, %add3A_14 : i32
    %run_scoped3A_16 = arith.constant 0 : i32
    "tpu.region"() ({
      %run_scoped3A_48 = tpu.sem_alloc : memref<!tpu.dma_semaphore, #tpu.memory_space<semaphore_mem>>
      %dma_start3A = arith.constant 0 : i32
      %dma_start3A_49 = arith.constant 0 : i32
      %dma_start3A_50 = tpu.memref_slice %arg7[%run_scoped3A_16, %dma_start3A, %dma_start3A_49] : memref<2x128x128xf32, #tpu.memory_space<vmem>> -> memref<1x128x128xf32, #tpu.memory_space<vmem>>
      %dma_start3A_51 = tpu.memref_squeeze %dma_start3A_50 : memref<1x128x128xf32, #tpu.memory_space<vmem>> -> memref<128x128xf32, #tpu.memory_space<vmem>>
      %dma_start3A_52 = arith.constant 0 : i32
      %dma_start3A_53 = tpu.memref_slice %arg8[%add3A_15, %dma_start3A_52] : memref<10240x128xf32, #tpu.memory_space<vmem_shared>> -> memref<128x128xf32, #tpu.memory_space<vmem_shared>>
      %dma_start3A_54 = arith.constant 0 : i32
      %dma_start3A_55 = tpu.memref_slice %arg8[%add3A_15, %dma_start3A_54] : memref<10240x128xf32, #tpu.memory_space<vmem_shared>> -> memref<128x128xf32, #tpu.memory_space<vmem_shared>>
      %dma_start3A_56 = arith.constant 0 : i32
      %dma_start3A_57 = arith.constant 0 : i32
      %dma_start3A_58 = tpu.memref_slice %arg7[%run_scoped3A_16, %dma_start3A_56, %dma_start3A_57] : memref<2x128x128xf32, #tpu.memory_space<vmem>> -> memref<1x128x128xf32, #tpu.memory_space<vmem>>
      %dma_start3A_59 = tpu.memref_squeeze %dma_start3A_58 : memref<1x128x128xf32, #tpu.memory_space<vmem>> -> memref<128x128xf32, #tpu.memory_space<vmem>>
      tpu.enqueue_dma source(%dma_start3A_59 : memref<128x128xf32, #tpu.memory_space<vmem>>) target(%dma_start3A_55 : memref<128x128xf32, #tpu.memory_space<vmem_shared>>) target_semaphore(%run_scoped3A_48 : memref<!tpu.dma_semaphore, #tpu.memory_space<semaphore_mem>>)
      %dma_wait3A = arith.constant 0 : i32
      %dma_wait3A_60 = arith.constant 0 : i32
      %dma_wait3A_61 = tpu.memref_slice %arg7[%run_scoped3A_16, %dma_wait3A, %dma_wait3A_60] : memref<2x128x128xf32, #tpu.memory_space<vmem>> -> memref<1x128x128xf32, #tpu.memory_space<vmem>>
      %dma_wait3A_62 = tpu.memref_squeeze %dma_wait3A_61 : memref<1x128x128xf32, #tpu.memory_space<vmem>> -> memref<128x128xf32, #tpu.memory_space<vmem>>
      %dma_wait3A_63 = arith.constant 0 : i32
      %dma_wait3A_64 = tpu.memref_slice %arg8[%add3A_15, %dma_wait3A_63] : memref<10240x128xf32, #tpu.memory_space<vmem_shared>> -> memref<128x128xf32, #tpu.memory_space<vmem_shared>>
      %dma_wait3A_65 = arith.constant 0 : i32
      %dma_wait3A_66 = tpu.memref_slice %arg8[%add3A_15, %dma_wait3A_65] : memref<10240x128xf32, #tpu.memory_space<vmem_shared>> -> memref<128x128xf32, #tpu.memory_space<vmem_shared>>
      %dma_wait3A_67 = arith.constant 0 : i32
      %dma_wait3A_68 = arith.constant 0 : i32
      %dma_wait3A_69 = tpu.memref_slice %arg7[%run_scoped3A_16, %dma_wait3A_67, %dma_wait3A_68] : memref<2x128x128xf32, #tpu.memory_space<vmem>> -> memref<1x128x128xf32, #tpu.memory_space<vmem>>
      %dma_wait3A_70 = tpu.memref_squeeze %dma_wait3A_69 : memref<1x128x128xf32, #tpu.memory_space<vmem>> -> memref<128x128xf32, #tpu.memory_space<vmem>>
      tpu.wait_dma2 semaphore(%run_scoped3A_48 : memref<!tpu.dma_semaphore, #tpu.memory_space<semaphore_mem>>) src(%dma_wait3A_70 : memref<128x128xf32, #tpu.memory_space<vmem>>) dst(%dma_wait3A_66 : memref<128x128xf32, #tpu.memory_space<vmem_shared>>)
      tpu.yield
    }) : () -> ()
    %mul3A_17 = arith.constant 640 : i32
    %mul3A_18 = arith.muli %arg1, %mul3A_17 : i32
    %add3A_19 = arith.constant 256 : i32
    %add3A_20 = arith.addi %mul3A_18, %add3A_19 : i32
    %run_scoped3A_21 = arith.constant 0 : i32
    "tpu.region"() ({
      %run_scoped3A_48 = tpu.sem_alloc : memref<!tpu.dma_semaphore, #tpu.memory_space<semaphore_mem>>
      %dma_start3A = arith.constant 0 : i32
      %dma_start3A_49 = arith.constant 0 : i32
      %dma_start3A_50 = tpu.memref_slice %arg7[%run_scoped3A_21, %dma_start3A, %dma_start3A_49] : memref<2x128x128xf32, #tpu.memory_space<vmem>> -> memref<1x128x128xf32, #tpu.memory_space<vmem>>
      %dma_start3A_51 = tpu.memref_squeeze %dma_start3A_50 : memref<1x128x128xf32, #tpu.memory_space<vmem>> -> memref<128x128xf32, #tpu.memory_space<vmem>>
      %dma_start3A_52 = arith.constant 0 : i32
      %dma_start3A_53 = tpu.memref_slice %arg8[%add3A_20, %dma_start3A_52] : memref<10240x128xf32, #tpu.memory_space<vmem_shared>> -> memref<128x128xf32, #tpu.memory_space<vmem_shared>>
      %dma_start3A_54 = arith.constant 0 : i32
      %dma_start3A_55 = tpu.memref_slice %arg8[%add3A_20, %dma_start3A_54] : memref<10240x128xf32, #tpu.memory_space<vmem_shared>> -> memref<128x128xf32, #tpu.memory_space<vmem_shared>>
      %dma_start3A_56 = arith.constant 0 : i32
      %dma_start3A_57 = arith.constant 0 : i32
      %dma_start3A_58 = tpu.memref_slice %arg7[%run_scoped3A_21, %dma_start3A_56, %dma_start3A_57] : memref<2x128x128xf32, #tpu.memory_space<vmem>> -> memref<1x128x128xf32, #tpu.memory_space<vmem>>
      %dma_start3A_59 = tpu.memref_squeeze %dma_start3A_58 : memref<1x128x128xf32, #tpu.memory_space<vmem>> -> memref<128x128xf32, #tpu.memory_space<vmem>>
      tpu.enqueue_dma source(%dma_start3A_59 : memref<128x128xf32, #tpu.memory_space<vmem>>) target(%dma_start3A_55 : memref<128x128xf32, #tpu.memory_space<vmem_shared>>) target_semaphore(%run_scoped3A_48 : memref<!tpu.dma_semaphore, #tpu.memory_space<semaphore_mem>>)
      %dma_wait3A = arith.constant 0 : i32
      %dma_wait3A_60 = arith.constant 0 : i32
      %dma_wait3A_61 = tpu.memref_slice %arg7[%run_scoped3A_21, %dma_wait3A, %dma_wait3A_60] : memref<2x128x128xf32, #tpu.memory_space<vmem>> -> memref<1x128x128xf32, #tpu.memory_space<vmem>>
      %dma_wait3A_62 = tpu.memref_squeeze %dma_wait3A_61 : memref<1x128x128xf32, #tpu.memory_space<vmem>> -> memref<128x128xf32, #tpu.memory_space<vmem>>
      %dma_wait3A_63 = arith.constant 0 : i32
      %dma_wait3A_64 = tpu.memref_slice %arg8[%add3A_20, %dma_wait3A_63] : memref<10240x128xf32, #tpu.memory_space<vmem_shared>> -> memref<128x128xf32, #tpu.memory_space<vmem_shared>>
      %dma_wait3A_65 = arith.constant 0 : i32
      %dma_wait3A_66 = tpu.memref_slice %arg8[%add3A_20, %dma_wait3A_65] : memref<10240x128xf32, #tpu.memory_space<vmem_shared>> -> memref<128x128xf32, #tpu.memory_space<vmem_shared>>
      %dma_wait3A_67 = arith.constant 0 : i32
      %dma_wait3A_68 = arith.constant 0 : i32
      %dma_wait3A_69 = tpu.memref_slice %arg7[%run_scoped3A_21, %dma_wait3A_67, %dma_wait3A_68] : memref<2x128x128xf32, #tpu.memory_space<vmem>> -> memref<1x128x128xf32, #tpu.memory_space<vmem>>
      %dma_wait3A_70 = tpu.memref_squeeze %dma_wait3A_69 : memref<1x128x128xf32, #tpu.memory_space<vmem>> -> memref<128x128xf32, #tpu.memory_space<vmem>>
      tpu.wait_dma2 semaphore(%run_scoped3A_48 : memref<!tpu.dma_semaphore, #tpu.memory_space<semaphore_mem>>) src(%dma_wait3A_70 : memref<128x128xf32, #tpu.memory_space<vmem>>) dst(%dma_wait3A_66 : memref<128x128xf32, #tpu.memory_space<vmem_shared>>)
      tpu.yield
    }) : () -> ()
    %mul3A_22 = arith.constant 640 : i32
    %mul3A_23 = arith.muli %arg1, %mul3A_22 : i32
    %add3A_24 = arith.constant 384 : i32
    %add3A_25 = arith.addi %mul3A_23, %add3A_24 : i32
    %run_scoped3A_26 = arith.constant 0 : i32
    "tpu.region"() ({
      %run_scoped3A_48 = tpu.sem_alloc : memref<!tpu.dma_semaphore, #tpu.memory_space<semaphore_mem>>
      %dma_start3A = arith.constant 0 : i32
      %dma_start3A_49 = arith.constant 0 : i32
      %dma_start3A_50 = tpu.memref_slice %arg7[%run_scoped3A_26, %dma_start3A, %dma_start3A_49] : memref<2x128x128xf32, #tpu.memory_space<vmem>> -> memref<1x128x128xf32, #tpu.memory_space<vmem>>
      %dma_start3A_51 = tpu.memref_squeeze %dma_start3A_50 : memref<1x128x128xf32, #tpu.memory_space<vmem>> -> memref<128x128xf32, #tpu.memory_space<vmem>>
      %dma_start3A_52 = arith.constant 0 : i32
      %dma_start3A_53 = tpu.memref_slice %arg8[%add3A_25, %dma_start3A_52] : memref<10240x128xf32, #tpu.memory_space<vmem_shared>> -> memref<128x128xf32, #tpu.memory_space<vmem_shared>>
      %dma_start3A_54 = arith.constant 0 : i32
      %dma_start3A_55 = tpu.memref_slice %arg8[%add3A_25, %dma_start3A_54] : memref<10240x128xf32, #tpu.memory_space<vmem_shared>> -> memref<128x128xf32, #tpu.memory_space<vmem_shared>>
      %dma_start3A_56 = arith.constant 0 : i32
      %dma_start3A_57 = arith.constant 0 : i32
      %dma_start3A_58 = tpu.memref_slice %arg7[%run_scoped3A_26, %dma_start3A_56, %dma_start3A_57] : memref<2x128x128xf32, #tpu.memory_space<vmem>> -> memref<1x128x128xf32, #tpu.memory_space<vmem>>
      %dma_start3A_59 = tpu.memref_squeeze %dma_start3A_58 : memref<1x128x128xf32, #tpu.memory_space<vmem>> -> memref<128x128xf32, #tpu.memory_space<vmem>>
      tpu.enqueue_dma source(%dma_start3A_59 : memref<128x128xf32, #tpu.memory_space<vmem>>) target(%dma_start3A_55 : memref<128x128xf32, #tpu.memory_space<vmem_shared>>) target_semaphore(%run_scoped3A_48 : memref<!tpu.dma_semaphore, #tpu.memory_space<semaphore_mem>>)
      %dma_wait3A = arith.constant 0 : i32
      %dma_wait3A_60 = arith.constant 0 : i32
      %dma_wait3A_61 = tpu.memref_slice %arg7[%run_scoped3A_26, %dma_wait3A, %dma_wait3A_60] : memref<2x128x128xf32, #tpu.memory_space<vmem>> -> memref<1x128x128xf32, #tpu.memory_space<vmem>>
      %dma_wait3A_62 = tpu.memref_squeeze %dma_wait3A_61 : memref<1x128x128xf32, #tpu.memory_space<vmem>> -> memref<128x128xf32, #tpu.memory_space<vmem>>
      %dma_wait3A_63 = arith.constant 0 : i32
      %dma_wait3A_64 = tpu.memref_slice %arg8[%add3A_25, %dma_wait3A_63] : memref<10240x128xf32, #tpu.memory_space<vmem_shared>> -> memref<128x128xf32, #tpu.memory_space<vmem_shared>>
      %dma_wait3A_65 = arith.constant 0 : i32
      %dma_wait3A_66 = tpu.memref_slice %arg8[%add3A_25, %dma_wait3A_65] : memref<10240x128xf32, #tpu.memory_space<vmem_shared>> -> memref<128x128xf32, #tpu.memory_space<vmem_shared>>
      %dma_wait3A_67 = arith.constant 0 : i32
      %dma_wait3A_68 = arith.constant 0 : i32
      %dma_wait3A_69 = tpu.memref_slice %arg7[%run_scoped3A_26, %dma_wait3A_67, %dma_wait3A_68] : memref<2x128x128xf32, #tpu.memory_space<vmem>> -> memref<1x128x128xf32, #tpu.memory_space<vmem>>
      %dma_wait3A_70 = tpu.memref_squeeze %dma_wait3A_69 : memref<1x128x128xf32, #tpu.memory_space<vmem>> -> memref<128x128xf32, #tpu.memory_space<vmem>>
      tpu.wait_dma2 semaphore(%run_scoped3A_48 : memref<!tpu.dma_semaphore, #tpu.memory_space<semaphore_mem>>) src(%dma_wait3A_70 : memref<128x128xf32, #tpu.memory_space<vmem>>) dst(%dma_wait3A_66 : memref<128x128xf32, #tpu.memory_space<vmem_shared>>)
      tpu.yield
    }) : () -> ()
    %mul3A_27 = arith.constant 640 : i32
    %mul3A_28 = arith.muli %arg1, %mul3A_27 : i32
    %add3A_29 = arith.constant 512 : i32
    %add3A_30 = arith.addi %mul3A_28, %add3A_29 : i32
    %run_scoped3A_31 = arith.constant 0 : i32
    "tpu.region"() ({
      %run_scoped3A_48 = tpu.sem_alloc : memref<!tpu.dma_semaphore, #tpu.memory_space<semaphore_mem>>
      %dma_start3A = arith.constant 0 : i32
      %dma_start3A_49 = arith.constant 0 : i32
      %dma_start3A_50 = tpu.memref_slice %arg7[%run_scoped3A_31, %dma_start3A, %dma_start3A_49] : memref<2x128x128xf32, #tpu.memory_space<vmem>> -> memref<1x128x128xf32, #tpu.memory_space<vmem>>
      %dma_start3A_51 = tpu.memref_squeeze %dma_start3A_50 : memref<1x128x128xf32, #tpu.memory_space<vmem>> -> memref<128x128xf32, #tpu.memory_space<vmem>>
      %dma_start3A_52 = arith.constant 0 : i32
      %dma_start3A_53 = tpu.memref_slice %arg8[%add3A_30, %dma_start3A_52] : memref<10240x128xf32, #tpu.memory_space<vmem_shared>> -> memref<128x128xf32, #tpu.memory_space<vmem_shared>>
      %dma_start3A_54 = arith.constant 0 : i32
      %dma_start3A_55 = tpu.memref_slice %arg8[%add3A_30, %dma_start3A_54] : memref<10240x128xf32, #tpu.memory_space<vmem_shared>> -> memref<128x128xf32, #tpu.memory_space<vmem_shared>>
      %dma_start3A_56 = arith.constant 0 : i32
      %dma_start3A_57 = arith.constant 0 : i32
      %dma_start3A_58 = tpu.memref_slice %arg7[%run_scoped3A_31, %dma_start3A_56, %dma_start3A_57] : memref<2x128x128xf32, #tpu.memory_space<vmem>> -> memref<1x128x128xf32, #tpu.memory_space<vmem>>
      %dma_start3A_59 = tpu.memref_squeeze %dma_start3A_58 : memref<1x128x128xf32, #tpu.memory_space<vmem>> -> memref<128x128xf32, #tpu.memory_space<vmem>>
      tpu.enqueue_dma source(%dma_start3A_59 : memref<128x128xf32, #tpu.memory_space<vmem>>) target(%dma_start3A_55 : memref<128x128xf32, #tpu.memory_space<vmem_shared>>) target_semaphore(%run_scoped3A_48 : memref<!tpu.dma_semaphore, #tpu.memory_space<semaphore_mem>>)
      %dma_wait3A = arith.constant 0 : i32
      %dma_wait3A_60 = arith.constant 0 : i32
      %dma_wait3A_61 = tpu.memref_slice %arg7[%run_scoped3A_31, %dma_wait3A, %dma_wait3A_60] : memref<2x128x128xf32, #tpu.memory_space<vmem>> -> memref<1x128x128xf32, #tpu.memory_space<vmem>>
      %dma_wait3A_62 = tpu.memref_squeeze %dma_wait3A_61 : memref<1x128x128xf32, #tpu.memory_space<vmem>> -> memref<128x128xf32, #tpu.memory_space<vmem>>
      %dma_wait3A_63 = arith.constant 0 : i32
      %dma_wait3A_64 = tpu.memref_slice %arg8[%add3A_30, %dma_wait3A_63] : memref<10240x128xf32, #tpu.memory_space<vmem_shared>> -> memref<128x128xf32, #tpu.memory_space<vmem_shared>>
      %dma_wait3A_65 = arith.constant 0 : i32
      %dma_wait3A_66 = tpu.memref_slice %arg8[%add3A_30, %dma_wait3A_65] : memref<10240x128xf32, #tpu.memory_space<vmem_shared>> -> memref<128x128xf32, #tpu.memory_space<vmem_shared>>
      %dma_wait3A_67 = arith.constant 0 : i32
      %dma_wait3A_68 = arith.constant 0 : i32
      %dma_wait3A_69 = tpu.memref_slice %arg7[%run_scoped3A_31, %dma_wait3A_67, %dma_wait3A_68] : memref<2x128x128xf32, #tpu.memory_space<vmem>> -> memref<1x128x128xf32, #tpu.memory_space<vmem>>
      %dma_wait3A_70 = tpu.memref_squeeze %dma_wait3A_69 : memref<1x128x128xf32, #tpu.memory_space<vmem>> -> memref<128x128xf32, #tpu.memory_space<vmem>>
      tpu.wait_dma2 semaphore(%run_scoped3A_48 : memref<!tpu.dma_semaphore, #tpu.memory_space<semaphore_mem>>) src(%dma_wait3A_70 : memref<128x128xf32, #tpu.memory_space<vmem>>) dst(%dma_wait3A_66 : memref<128x128xf32, #tpu.memory_space<vmem_shared>>)
      tpu.yield
    }) : () -> ()
    %barrier3A = arith.constant 0 : index
    tpu.barrier barrier_id(%barrier3A)
    %mul3A_32 = arith.constant 80 : i32
    %mul3A_33 = arith.muli %add3A, %mul3A_32 : i32
    %multiple_of3A = tpu.assume_multiple %mul3A_33, 8 : i32
    %not3A = arith.constant true
    %not3A_34 = arith.xori %eq3A_1, %not3A : i1
    %convert_element_type3A = arith.extui %not3A_34 : i1 to i32
    %cond3A = arith.constant 0 : i32
    %cond3A_35 = arith.constant 1 : i32
    %cond3A_36 = arith.constant 0 : i32
    %cond3A_37 = arith.cmpi ne, %convert_element_type3A, %cond3A_36 : i32
    scf.if %cond3A_37 {
      %add3A_48 = arith.constant 0 : i32
      %add3A_49 = arith.addi %multiple_of3A, %add3A_48 : i32
      "tpu.region"() ({
        %run_scoped3A_223 = tpu.sem_alloc : memref<!tpu.dma_semaphore, #tpu.memory_space<semaphore_mem>>
        %dma_start3A_224 = arith.constant 0 : i32
        %dma_start3A_225 = arith.constant 0 : i32
        %dma_start3A_226 = tpu.memref_slice %arg5[%dma_start3A_224, %dma_start3A_225] : memref<40x128xi32, #tpu.memory_space<vmem>> -> memref<40x128xi32, #tpu.memory_space<vmem>>
        %dma_start3A_227 = arith.constant 0 : i32
        %dma_start3A_228 = arith.constant 0 : i32
        %dma_start3A_229 = tpu.memref_slice %arg3[%cond3A, %dma_start3A_227, %dma_start3A_228] : memref<2x2500x128xi32, #tpu.memory_space<hbm>> -> memref<1x2500x128xi32, #tpu.memory_space<hbm>>
        %dma_start3A_230 = tpu.memref_squeeze %dma_start3A_229 : memref<1x2500x128xi32, #tpu.memory_space<hbm>> -> memref<2500x128xi32, #tpu.memory_space<hbm>>
        %dma_start3A_231 = arith.constant 0 : i32
        %dma_start3A_232 = tpu.memref_slice %dma_start3A_230[%add3A_49, %dma_start3A_231] : memref<2500x128xi32, #tpu.memory_space<hbm>> -> memref<40x128xi32, #tpu.memory_space<hbm>>
        %dma_start3A_233 = arith.constant 0 : i32
        %dma_start3A_234 = arith.constant 0 : i32
        %dma_start3A_235 = tpu.memref_slice %arg5[%dma_start3A_233, %dma_start3A_234] : memref<40x128xi32, #tpu.memory_space<vmem>> -> memref<40x128xi32, #tpu.memory_space<vmem>>
        %dma_start3A_236 = arith.constant 0 : i32
        %dma_start3A_237 = arith.constant 0 : i32
        %dma_start3A_238 = tpu.memref_slice %arg3[%cond3A, %dma_start3A_236, %dma_start3A_237] : memref<2x2500x128xi32, #tpu.memory_space<hbm>> -> memref<1x2500x128xi32, #tpu.memory_space<hbm>>
        %dma_start3A_239 = tpu.memref_squeeze %dma_start3A_238 : memref<1x2500x128xi32, #tpu.memory_space<hbm>> -> memref<2500x128xi32, #tpu.memory_space<hbm>>
        %dma_start3A_240 = arith.constant 0 : i32
        %dma_start3A_241 = tpu.memref_slice %dma_start3A_239[%add3A_49, %dma_start3A_240] : memref<2500x128xi32, #tpu.memory_space<hbm>> -> memref<40x128xi32, #tpu.memory_space<hbm>>
        tpu.enqueue_dma source(%dma_start3A_241 : memref<40x128xi32, #tpu.memory_space<hbm>>) target(%dma_start3A_235 : memref<40x128xi32, #tpu.memory_space<vmem>>) target_semaphore(%run_scoped3A_223 : memref<!tpu.dma_semaphore, #tpu.memory_space<semaphore_mem>>)
        %dma_wait3A = arith.constant 0 : i32
        %dma_wait3A_242 = arith.constant 0 : i32
        %dma_wait3A_243 = tpu.memref_slice %arg5[%dma_wait3A, %dma_wait3A_242] : memref<40x128xi32, #tpu.memory_space<vmem>> -> memref<40x128xi32, #tpu.memory_space<vmem>>
        %dma_wait3A_244 = arith.constant 0 : i32
        %dma_wait3A_245 = arith.constant 0 : i32
        %dma_wait3A_246 = tpu.memref_slice %arg3[%cond3A, %dma_wait3A_244, %dma_wait3A_245] : memref<2x2500x128xi32, #tpu.memory_space<hbm>> -> memref<1x2500x128xi32, #tpu.memory_space<hbm>>
        %dma_wait3A_247 = tpu.memref_squeeze %dma_wait3A_246 : memref<1x2500x128xi32, #tpu.memory_space<hbm>> -> memref<2500x128xi32, #tpu.memory_space<hbm>>
        %dma_wait3A_248 = arith.constant 0 : i32
        %dma_wait3A_249 = tpu.memref_slice %dma_wait3A_247[%add3A_49, %dma_wait3A_248] : memref<2500x128xi32, #tpu.memory_space<hbm>> -> memref<40x128xi32, #tpu.memory_space<hbm>>
        %dma_wait3A_250 = arith.constant 0 : i32
        %dma_wait3A_251 = arith.constant 0 : i32
        %dma_wait3A_252 = tpu.memref_slice %arg5[%dma_wait3A_250, %dma_wait3A_251] : memref<40x128xi32, #tpu.memory_space<vmem>> -> memref<40x128xi32, #tpu.memory_space<vmem>>
        %dma_wait3A_253 = arith.constant 0 : i32
        %dma_wait3A_254 = arith.constant 0 : i32
        %dma_wait3A_255 = tpu.memref_slice %arg3[%cond3A, %dma_wait3A_253, %dma_wait3A_254] : memref<2x2500x128xi32, #tpu.memory_space<hbm>> -> memref<1x2500x128xi32, #tpu.memory_space<hbm>>
        %dma_wait3A_256 = tpu.memref_squeeze %dma_wait3A_255 : memref<1x2500x128xi32, #tpu.memory_space<hbm>> -> memref<2500x128xi32, #tpu.memory_space<hbm>>
        %dma_wait3A_257 = arith.constant 0 : i32
        %dma_wait3A_258 = tpu.memref_slice %dma_wait3A_256[%add3A_49, %dma_wait3A_257] : memref<2500x128xi32, #tpu.memory_space<hbm>> -> memref<40x128xi32, #tpu.memory_space<hbm>>
        tpu.wait_dma2 semaphore(%run_scoped3A_223 : memref<!tpu.dma_semaphore, #tpu.memory_space<semaphore_mem>>) src(%dma_wait3A_258 : memref<40x128xi32, #tpu.memory_space<hbm>>) dst(%dma_wait3A_252 : memref<40x128xi32, #tpu.memory_space<vmem>>)
        tpu.yield
      }) : () -> ()
      "tpu.region"() ({
        %run_scoped3A_223 = tpu.sem_alloc : memref<!tpu.dma_semaphore, #tpu.memory_space<semaphore_mem>>
        %dma_start3A_224 = arith.constant 0 : i32
        %dma_start3A_225 = arith.constant 0 : i32
        %dma_start3A_226 = tpu.memref_slice %arg6[%dma_start3A_224, %dma_start3A_225] : memref<40x128xi32, #tpu.memory_space<vmem>> -> memref<40x128xi32, #tpu.memory_space<vmem>>
        %dma_start3A_227 = arith.constant 0 : i32
        %dma_start3A_228 = arith.constant 0 : i32
        %dma_start3A_229 = tpu.memref_slice %arg3[%cond3A_35, %dma_start3A_227, %dma_start3A_228] : memref<2x2500x128xi32, #tpu.memory_space<hbm>> -> memref<1x2500x128xi32, #tpu.memory_space<hbm>>
        %dma_start3A_230 = tpu.memref_squeeze %dma_start3A_229 : memref<1x2500x128xi32, #tpu.memory_space<hbm>> -> memref<2500x128xi32, #tpu.memory_space<hbm>>
        %dma_start3A_231 = arith.constant 0 : i32
        %dma_start3A_232 = tpu.memref_slice %dma_start3A_230[%add3A_49, %dma_start3A_231] : memref<2500x128xi32, #tpu.memory_space<hbm>> -> memref<40x128xi32, #tpu.memory_space<hbm>>
        %dma_start3A_233 = arith.constant 0 : i32
        %dma_start3A_234 = arith.constant 0 : i32
        %dma_start3A_235 = tpu.memref_slice %arg6[%dma_start3A_233, %dma_start3A_234] : memref<40x128xi32, #tpu.memory_space<vmem>> -> memref<40x128xi32, #tpu.memory_space<vmem>>
        %dma_start3A_236 = arith.constant 0 : i32
        %dma_start3A_237 = arith.constant 0 : i32
        %dma_start3A_238 = tpu.memref_slice %arg3[%cond3A_35, %dma_start3A_236, %dma_start3A_237] : memref<2x2500x128xi32, #tpu.memory_space<hbm>> -> memref<1x2500x128xi32, #tpu.memory_space<hbm>>
        %dma_start3A_239 = tpu.memref_squeeze %dma_start3A_238 : memref<1x2500x128xi32, #tpu.memory_space<hbm>> -> memref<2500x128xi32, #tpu.memory_space<hbm>>
        %dma_start3A_240 = arith.constant 0 : i32
        %dma_start3A_241 = tpu.memref_slice %dma_start3A_239[%add3A_49, %dma_start3A_240] : memref<2500x128xi32, #tpu.memory_space<hbm>> -> memref<40x128xi32, #tpu.memory_space<hbm>>
        tpu.enqueue_dma source(%dma_start3A_241 : memref<40x128xi32, #tpu.memory_space<hbm>>) target(%dma_start3A_235 : memref<40x128xi32, #tpu.memory_space<vmem>>) target_semaphore(%run_scoped3A_223 : memref<!tpu.dma_semaphore, #tpu.memory_space<semaphore_mem>>)
        %dma_wait3A = arith.constant 0 : i32
        %dma_wait3A_242 = arith.constant 0 : i32
        %dma_wait3A_243 = tpu.memref_slice %arg6[%dma_wait3A, %dma_wait3A_242] : memref<40x128xi32, #tpu.memory_space<vmem>> -> memref<40x128xi32, #tpu.memory_space<vmem>>
        %dma_wait3A_244 = arith.constant 0 : i32
        %dma_wait3A_245 = arith.constant 0 : i32
        %dma_wait3A_246 = tpu.memref_slice %arg3[%cond3A_35, %dma_wait3A_244, %dma_wait3A_245] : memref<2x2500x128xi32, #tpu.memory_space<hbm>> -> memref<1x2500x128xi32, #tpu.memory_space<hbm>>
        %dma_wait3A_247 = tpu.memref_squeeze %dma_wait3A_246 : memref<1x2500x128xi32, #tpu.memory_space<hbm>> -> memref<2500x128xi32, #tpu.memory_space<hbm>>
        %dma_wait3A_248 = arith.constant 0 : i32
        %dma_wait3A_249 = tpu.memref_slice %dma_wait3A_247[%add3A_49, %dma_wait3A_248] : memref<2500x128xi32, #tpu.memory_space<hbm>> -> memref<40x128xi32, #tpu.memory_space<hbm>>
        %dma_wait3A_250 = arith.constant 0 : i32
        %dma_wait3A_251 = arith.constant 0 : i32
        %dma_wait3A_252 = tpu.memref_slice %arg6[%dma_wait3A_250, %dma_wait3A_251] : memref<40x128xi32, #tpu.memory_space<vmem>> -> memref<40x128xi32, #tpu.memory_space<vmem>>
        %dma_wait3A_253 = arith.constant 0 : i32
        %dma_wait3A_254 = arith.constant 0 : i32
        %dma_wait3A_255 = tpu.memref_slice %arg3[%cond3A_35, %dma_wait3A_253, %dma_wait3A_254] : memref<2x2500x128xi32, #tpu.memory_space<hbm>> -> memref<1x2500x128xi32, #tpu.memory_space<hbm>>
        %dma_wait3A_256 = tpu.memref_squeeze %dma_wait3A_255 : memref<1x2500x128xi32, #tpu.memory_space<hbm>> -> memref<2500x128xi32, #tpu.memory_space<hbm>>
        %dma_wait3A_257 = arith.constant 0 : i32
        %dma_wait3A_258 = tpu.memref_slice %dma_wait3A_256[%add3A_49, %dma_wait3A_257] : memref<2500x128xi32, #tpu.memory_space<hbm>> -> memref<40x128xi32, #tpu.memory_space<hbm>>
        tpu.wait_dma2 semaphore(%run_scoped3A_223 : memref<!tpu.dma_semaphore, #tpu.memory_space<semaphore_mem>>) src(%dma_wait3A_258 : memref<40x128xi32, #tpu.memory_space<hbm>>) dst(%dma_wait3A_252 : memref<40x128xi32, #tpu.memory_space<vmem>>)
        tpu.yield
      }) : () -> ()
      %dma_start3A = arith.constant 0 : i32
      %dma_start3A_50 = arith.constant 0 : i32
      %dma_start3A_51 = arith.constant 0 : i32
      %dma_start3A_52 = arith.constant 0 : i32
      %dma_start3A_53 = arith.constant 0 : i32
      %dma_start3A_54 = tpu.memref_slice %arg7[%dma_start3A_50, %dma_start3A_52, %dma_start3A_53] : memref<2x128x128xf32, #tpu.memory_space<vmem>> -> memref<1x128x128xf32, #tpu.memory_space<vmem>>
      %dma_start3A_55 = tpu.memref_squeeze %dma_start3A_54 : memref<1x128x128xf32, #tpu.memory_space<vmem>> -> memref<128x128xf32, #tpu.memory_space<vmem>>
      %dma_start3A_56 = arith.constant 0 : i32
      %dma_start3A_57 = arith.constant 0 : i32
      %dma_start3A_58 = tpu.memref_slice %dma_start3A_55[%dma_start3A_56, %dma_start3A_57] : memref<128x128xf32, #tpu.memory_space<vmem>> -> memref<64x128xf32, #tpu.memory_space<vmem>>
      %dma_start3A_59 = arith.constant 0 : i32
      %dma_start3A_60 = tpu.memref_slice %arg5[%dma_start3A, %dma_start3A_59] : memref<40x128xi32, #tpu.memory_space<vmem>> -> memref<1x128xi32, #tpu.memory_space<vmem>>
      %dma_start3A_61 = tpu.memref_squeeze %dma_start3A_60 : memref<1x128xi32, #tpu.memory_space<vmem>> -> memref<128xi32, #tpu.memory_space<vmem>>
      %dma_start3A_62 = arith.constant 0 : i32
      %dma_start3A_63 = tpu.memref_slice %dma_start3A_61[%dma_start3A_62] : memref<128xi32, #tpu.memory_space<vmem>> -> memref<64xi32, #tpu.memory_space<vmem>>
      %dma_start3A_64 = arith.constant 0 : i32
      %dma_start3A_65 = arith.constant 0 : i32
      %dma_start3A_66 = tpu.memref_slice %arg2[%dma_start3A_64, %dma_start3A_65] : memref<10000x128xf32, #tpu.memory_space<hbm>> -> memref<10000x128xf32, #tpu.memory_space<hbm>>
      %dma_start3A_67 = tpu.memref_slice %arg9[%dma_start3A_51] : memref<4x!tpu.dma_semaphore, #tpu.memory_space<semaphore_mem>> -> memref<1x!tpu.dma_semaphore, #tpu.memory_space<semaphore_mem>>
      %dma_start3A_68 = tpu.memref_squeeze %dma_start3A_67 : memref<1x!tpu.dma_semaphore, #tpu.memory_space<semaphore_mem>> -> memref<!tpu.dma_semaphore, #tpu.memory_space<semaphore_mem>>
      tpu.enqueue_indirect_dma source(%dma_start3A_66 : memref<10000x128xf32, #tpu.memory_space<hbm>>) target(%dma_start3A_58 : memref<64x128xf32, #tpu.memory_space<vmem>>) offsets(%dma_start3A_63 : memref<64xi32, #tpu.memory_space<vmem>>) semaphore(%dma_start3A_68 : memref<!tpu.dma_semaphore, #tpu.memory_space<semaphore_mem>>)
      %dma_start3A_69 = arith.constant 0 : i32
      %dma_start3A_70 = arith.constant 0 : i32
      %dma_start3A_71 = arith.constant 1 : i32
      %dma_start3A_72 = arith.constant 0 : i32
      %dma_start3A_73 = arith.constant 0 : i32
      %dma_start3A_74 = tpu.memref_slice %arg7[%dma_start3A_70, %dma_start3A_72, %dma_start3A_73] : memref<2x128x128xf32, #tpu.memory_space<vmem>> -> memref<1x128x128xf32, #tpu.memory_space<vmem>>
      %dma_start3A_75 = tpu.memref_squeeze %dma_start3A_74 : memref<1x128x128xf32, #tpu.memory_space<vmem>> -> memref<128x128xf32, #tpu.memory_space<vmem>>
      %dma_start3A_76 = arith.constant 64 : i32
      %dma_start3A_77 = arith.constant 0 : i32
      %dma_start3A_78 = tpu.memref_slice %dma_start3A_75[%dma_start3A_76, %dma_start3A_77] : memref<128x128xf32, #tpu.memory_space<vmem>> -> memref<64x128xf32, #tpu.memory_space<vmem>>
      %dma_start3A_79 = arith.constant 0 : i32
      %dma_start3A_80 = tpu.memref_slice %arg5[%dma_start3A_69, %dma_start3A_79] : memref<40x128xi32, #tpu.memory_space<vmem>> -> memref<1x128xi32, #tpu.memory_space<vmem>>
      %dma_start3A_81 = tpu.memref_squeeze %dma_start3A_80 : memref<1x128xi32, #tpu.memory_space<vmem>> -> memref<128xi32, #tpu.memory_space<vmem>>
      %dma_start3A_82 = arith.constant 64 : i32
      %dma_start3A_83 = tpu.memref_slice %dma_start3A_81[%dma_start3A_82] : memref<128xi32, #tpu.memory_space<vmem>> -> memref<64xi32, #tpu.memory_space<vmem>>
      %dma_start3A_84 = arith.constant 0 : i32
      %dma_start3A_85 = arith.constant 0 : i32
      %dma_start3A_86 = tpu.memref_slice %arg2[%dma_start3A_84, %dma_start3A_85] : memref<10000x128xf32, #tpu.memory_space<hbm>> -> memref<10000x128xf32, #tpu.memory_space<hbm>>
      %dma_start3A_87 = tpu.memref_slice %arg9[%dma_start3A_71] : memref<4x!tpu.dma_semaphore, #tpu.memory_space<semaphore_mem>> -> memref<1x!tpu.dma_semaphore, #tpu.memory_space<semaphore_mem>>
      %dma_start3A_88 = tpu.memref_squeeze %dma_start3A_87 : memref<1x!tpu.dma_semaphore, #tpu.memory_space<semaphore_mem>> -> memref<!tpu.dma_semaphore, #tpu.memory_space<semaphore_mem>>
      tpu.enqueue_indirect_dma source(%dma_start3A_86 : memref<10000x128xf32, #tpu.memory_space<hbm>>) target(%dma_start3A_78 : memref<64x128xf32, #tpu.memory_space<vmem>>) offsets(%dma_start3A_83 : memref<64xi32, #tpu.memory_space<vmem>>) semaphore(%dma_start3A_88 : memref<!tpu.dma_semaphore, #tpu.memory_space<semaphore_mem>>)
      %dma_start3A_89 = arith.constant 1 : i32
      %dma_start3A_90 = arith.constant 1 : i32
      %dma_start3A_91 = arith.constant 2 : i32
      %dma_start3A_92 = arith.constant 0 : i32
      %dma_start3A_93 = arith.constant 0 : i32
      %dma_start3A_94 = tpu.memref_slice %arg7[%dma_start3A_90, %dma_start3A_92, %dma_start3A_93] : memref<2x128x128xf32, #tpu.memory_space<vmem>> -> memref<1x128x128xf32, #tpu.memory_space<vmem>>
      %dma_start3A_95 = tpu.memref_squeeze %dma_start3A_94 : memref<1x128x128xf32, #tpu.memory_space<vmem>> -> memref<128x128xf32, #tpu.memory_space<vmem>>
      %dma_start3A_96 = arith.constant 0 : i32
      %dma_start3A_97 = arith.constant 0 : i32
      %dma_start3A_98 = tpu.memref_slice %dma_start3A_95[%dma_start3A_96, %dma_start3A_97] : memref<128x128xf32, #tpu.memory_space<vmem>> -> memref<64x128xf32, #tpu.memory_space<vmem>>
      %dma_start3A_99 = arith.constant 0 : i32
      %dma_start3A_100 = tpu.memref_slice %arg5[%dma_start3A_89, %dma_start3A_99] : memref<40x128xi32, #tpu.memory_space<vmem>> -> memref<1x128xi32, #tpu.memory_space<vmem>>
      %dma_start3A_101 = tpu.memref_squeeze %dma_start3A_100 : memref<1x128xi32, #tpu.memory_space<vmem>> -> memref<128xi32, #tpu.memory_space<vmem>>
      %dma_start3A_102 = arith.constant 0 : i32
      %dma_start3A_103 = tpu.memref_slice %dma_start3A_101[%dma_start3A_102] : memref<128xi32, #tpu.memory_space<vmem>> -> memref<64xi32, #tpu.memory_space<vmem>>
      %dma_start3A_104 = arith.constant 0 : i32
      %dma_start3A_105 = arith.constant 0 : i32
      %dma_start3A_106 = tpu.memref_slice %arg2[%dma_start3A_104, %dma_start3A_105] : memref<10000x128xf32, #tpu.memory_space<hbm>> -> memref<10000x128xf32, #tpu.memory_space<hbm>>
      %dma_start3A_107 = tpu.memref_slice %arg9[%dma_start3A_91] : memref<4x!tpu.dma_semaphore, #tpu.memory_space<semaphore_mem>> -> memref<1x!tpu.dma_semaphore, #tpu.memory_space<semaphore_mem>>
      %dma_start3A_108 = tpu.memref_squeeze %dma_start3A_107 : memref<1x!tpu.dma_semaphore, #tpu.memory_space<semaphore_mem>> -> memref<!tpu.dma_semaphore, #tpu.memory_space<semaphore_mem>>
      tpu.enqueue_indirect_dma source(%dma_start3A_106 : memref<10000x128xf32, #tpu.memory_space<hbm>>) target(%dma_start3A_98 : memref<64x128xf32, #tpu.memory_space<vmem>>) offsets(%dma_start3A_103 : memref<64xi32, #tpu.memory_space<vmem>>) semaphore(%dma_start3A_108 : memref<!tpu.dma_semaphore, #tpu.memory_space<semaphore_mem>>)
      %dma_start3A_109 = arith.constant 1 : i32
      %dma_start3A_110 = arith.constant 1 : i32
      %dma_start3A_111 = arith.constant 3 : i32
      %dma_start3A_112 = arith.constant 0 : i32
      %dma_start3A_113 = arith.constant 0 : i32
      %dma_start3A_114 = tpu.memref_slice %arg7[%dma_start3A_110, %dma_start3A_112, %dma_start3A_113] : memref<2x128x128xf32, #tpu.memory_space<vmem>> -> memref<1x128x128xf32, #tpu.memory_space<vmem>>
      %dma_start3A_115 = tpu.memref_squeeze %dma_start3A_114 : memref<1x128x128xf32, #tpu.memory_space<vmem>> -> memref<128x128xf32, #tpu.memory_space<vmem>>
      %dma_start3A_116 = arith.constant 64 : i32
      %dma_start3A_117 = arith.constant 0 : i32
      %dma_start3A_118 = tpu.memref_slice %dma_start3A_115[%dma_start3A_116, %dma_start3A_117] : memref<128x128xf32, #tpu.memory_space<vmem>> -> memref<64x128xf32, #tpu.memory_space<vmem>>
      %dma_start3A_119 = arith.constant 0 : i32
      %dma_start3A_120 = tpu.memref_slice %arg5[%dma_start3A_109, %dma_start3A_119] : memref<40x128xi32, #tpu.memory_space<vmem>> -> memref<1x128xi32, #tpu.memory_space<vmem>>
      %dma_start3A_121 = tpu.memref_squeeze %dma_start3A_120 : memref<1x128xi32, #tpu.memory_space<vmem>> -> memref<128xi32, #tpu.memory_space<vmem>>
      %dma_start3A_122 = arith.constant 64 : i32
      %dma_start3A_123 = tpu.memref_slice %dma_start3A_121[%dma_start3A_122] : memref<128xi32, #tpu.memory_space<vmem>> -> memref<64xi32, #tpu.memory_space<vmem>>
      %dma_start3A_124 = arith.constant 0 : i32
      %dma_start3A_125 = arith.constant 0 : i32
      %dma_start3A_126 = tpu.memref_slice %arg2[%dma_start3A_124, %dma_start3A_125] : memref<10000x128xf32, #tpu.memory_space<hbm>> -> memref<10000x128xf32, #tpu.memory_space<hbm>>
      %dma_start3A_127 = tpu.memref_slice %arg9[%dma_start3A_111] : memref<4x!tpu.dma_semaphore, #tpu.memory_space<semaphore_mem>> -> memref<1x!tpu.dma_semaphore, #tpu.memory_space<semaphore_mem>>
      %dma_start3A_128 = tpu.memref_squeeze %dma_start3A_127 : memref<1x!tpu.dma_semaphore, #tpu.memory_space<semaphore_mem>> -> memref<!tpu.dma_semaphore, #tpu.memory_space<semaphore_mem>>
      tpu.enqueue_indirect_dma source(%dma_start3A_126 : memref<10000x128xf32, #tpu.memory_space<hbm>>) target(%dma_start3A_118 : memref<64x128xf32, #tpu.memory_space<vmem>>) offsets(%dma_start3A_123 : memref<64xi32, #tpu.memory_space<vmem>>) semaphore(%dma_start3A_128 : memref<!tpu.dma_semaphore, #tpu.memory_space<semaphore_mem>>)
      %scan3A_129 = arith.constant 0 : i32
      %scan3A_130 = arith.constant 0 : i32
      %scan3A_131 = arith.constant 20 : i32
      %scan3A_132 = arith.addi %scan3A_130, %scan3A_131 : i32
      %scan3A_133 = arith.constant 1 : i32
      scf.for %scan3A_223 = %scan3A_130 to %scan3A_132 step %scan3A_133  : i32 {
        %mul3A_224 = arith.constant 2 : i32
        %mul3A_225 = arith.muli %scan3A_223, %mul3A_224 : i32
        %add3A_226 = arith.constant 0 : i32
        %add3A_227 = arith.addi %mul3A_225, %add3A_226 : i32
        %dma_wait3A = arith.constant 0 : i32
        %dma_wait3A_228 = arith.constant 0 : i32
        %dma_wait3A_229 = arith.constant 0 : i32
        %dma_wait3A_230 = arith.constant 0 : i32
        %dma_wait3A_231 = tpu.memref_slice %arg7[%dma_wait3A, %dma_wait3A_229, %dma_wait3A_230] : memref<2x128x128xf32, #tpu.memory_space<vmem>> -> memref<1x128x128xf32, #tpu.memory_space<vmem>>
        %dma_wait3A_232 = tpu.memref_squeeze %dma_wait3A_231 : memref<1x128x128xf32, #tpu.memory_space<vmem>> -> memref<128x128xf32, #tpu.memory_space<vmem>>
        %dma_wait3A_233 = arith.constant 0 : i32
        %dma_wait3A_234 = arith.constant 0 : i32
        %dma_wait3A_235 = tpu.memref_slice %dma_wait3A_232[%dma_wait3A_233, %dma_wait3A_234] : memref<128x128xf32, #tpu.memory_space<vmem>> -> memref<64x128xf32, #tpu.memory_space<vmem>>
        %dma_wait3A_236 = arith.constant 0 : i32
        %dma_wait3A_237 = tpu.memref_slice %arg5[%add3A_227, %dma_wait3A_236] : memref<40x128xi32, #tpu.memory_space<vmem>> -> memref<1x128xi32, #tpu.memory_space<vmem>>
        %dma_wait3A_238 = tpu.memref_squeeze %dma_wait3A_237 : memref<1x128xi32, #tpu.memory_space<vmem>> -> memref<128xi32, #tpu.memory_space<vmem>>
        %dma_wait3A_239 = arith.constant 0 : i32
        %dma_wait3A_240 = tpu.memref_slice %dma_wait3A_238[%dma_wait3A_239] : memref<128xi32, #tpu.memory_space<vmem>> -> memref<64xi32, #tpu.memory_space<vmem>>
        %dma_wait3A_241 = arith.constant 0 : i32
        %dma_wait3A_242 = arith.constant 0 : i32
        %dma_wait3A_243 = tpu.memref_slice %arg2[%dma_wait3A_241, %dma_wait3A_242] : memref<10000x128xf32, #tpu.memory_space<hbm>> -> memref<10000x128xf32, #tpu.memory_space<hbm>>
        %dma_wait3A_244 = tpu.memref_slice %arg9[%dma_wait3A_228] : memref<4x!tpu.dma_semaphore, #tpu.memory_space<semaphore_mem>> -> memref<1x!tpu.dma_semaphore, #tpu.memory_space<semaphore_mem>>
        %dma_wait3A_245 = tpu.memref_squeeze %dma_wait3A_244 : memref<1x!tpu.dma_semaphore, #tpu.memory_space<semaphore_mem>> -> memref<!tpu.dma_semaphore, #tpu.memory_space<semaphore_mem>>
        tpu.wait_indirect_dma semaphore(%dma_wait3A_245 : memref<!tpu.dma_semaphore, #tpu.memory_space<semaphore_mem>>) src(%dma_wait3A_243 : memref<10000x128xf32, #tpu.memory_space<hbm>>) dst(%dma_wait3A_235 : memref<64x128xf32, #tpu.memory_space<vmem>>)
        %dma_wait3A_246 = arith.constant 0 : i32
        %dma_wait3A_247 = arith.constant 1 : i32
        %dma_wait3A_248 = arith.constant 0 : i32
        %dma_wait3A_249 = arith.constant 0 : i32
        %dma_wait3A_250 = tpu.memref_slice %arg7[%dma_wait3A_246, %dma_wait3A_248, %dma_wait3A_249] : memref<2x128x128xf32, #tpu.memory_space<vmem>> -> memref<1x128x128xf32, #tpu.memory_space<vmem>>
        %dma_wait3A_251 = tpu.memref_squeeze %dma_wait3A_250 : memref<1x128x128xf32, #tpu.memory_space<vmem>> -> memref<128x128xf32, #tpu.memory_space<vmem>>
        %dma_wait3A_252 = arith.constant 64 : i32
        %dma_wait3A_253 = arith.constant 0 : i32
        %dma_wait3A_254 = tpu.memref_slice %dma_wait3A_251[%dma_wait3A_252, %dma_wait3A_253] : memref<128x128xf32, #tpu.memory_space<vmem>> -> memref<64x128xf32, #tpu.memory_space<vmem>>
        %dma_wait3A_255 = arith.constant 0 : i32
        %dma_wait3A_256 = tpu.memref_slice %arg5[%add3A_227, %dma_wait3A_255] : memref<40x128xi32, #tpu.memory_space<vmem>> -> memref<1x128xi32, #tpu.memory_space<vmem>>
        %dma_wait3A_257 = tpu.memref_squeeze %dma_wait3A_256 : memref<1x128xi32, #tpu.memory_space<vmem>> -> memref<128xi32, #tpu.memory_space<vmem>>
        %dma_wait3A_258 = arith.constant 64 : i32
        %dma_wait3A_259 = tpu.memref_slice %dma_wait3A_257[%dma_wait3A_258] : memref<128xi32, #tpu.memory_space<vmem>> -> memref<64xi32, #tpu.memory_space<vmem>>
        %dma_wait3A_260 = arith.constant 0 : i32
        %dma_wait3A_261 = arith.constant 0 : i32
        %dma_wait3A_262 = tpu.memref_slice %arg2[%dma_wait3A_260, %dma_wait3A_261] : memref<10000x128xf32, #tpu.memory_space<hbm>> -> memref<10000x128xf32, #tpu.memory_space<hbm>>
        %dma_wait3A_263 = tpu.memref_slice %arg9[%dma_wait3A_247] : memref<4x!tpu.dma_semaphore, #tpu.memory_space<semaphore_mem>> -> memref<1x!tpu.dma_semaphore, #tpu.memory_space<semaphore_mem>>
        %dma_wait3A_264 = tpu.memref_squeeze %dma_wait3A_263 : memref<1x!tpu.dma_semaphore, #tpu.memory_space<semaphore_mem>> -> memref<!tpu.dma_semaphore, #tpu.memory_space<semaphore_mem>>
        tpu.wait_indirect_dma semaphore(%dma_wait3A_264 : memref<!tpu.dma_semaphore, #tpu.memory_space<semaphore_mem>>) src(%dma_wait3A_262 : memref<10000x128xf32, #tpu.memory_space<hbm>>) dst(%dma_wait3A_254 : memref<64x128xf32, #tpu.memory_space<vmem>>)
        %run_scoped3A_265 = arith.constant 0 : i32
        "tpu.region"() ({
          %run_scoped3A_322 = tpu.sem_alloc : memref<!tpu.dma_semaphore, #tpu.memory_space<semaphore_mem>>
          %dma_start3A_323 = arith.constant 0 : i32
          %dma_start3A_324 = arith.constant 0 : i32
          %dma_start3A_325 = tpu.memref_slice %arg7[%run_scoped3A_265, %dma_start3A_323, %dma_start3A_324] : memref<2x128x128xf32, #tpu.memory_space<vmem>> -> memref<1x128x128xf32, #tpu.memory_space<vmem>>
          %dma_start3A_326 = tpu.memref_squeeze %dma_start3A_325 : memref<1x128x128xf32, #tpu.memory_space<vmem>> -> memref<128x128xf32, #tpu.memory_space<vmem>>
          %dma_start3A_327 = arith.constant 0 : i32
          %dma_start3A_328 = tpu.memref_slice %arg6[%add3A_227, %dma_start3A_327] : memref<40x128xi32, #tpu.memory_space<vmem>> -> memref<1x128xi32, #tpu.memory_space<vmem>>
          %dma_start3A_329 = tpu.memref_squeeze %dma_start3A_328 : memref<1x128xi32, #tpu.memory_space<vmem>> -> memref<128xi32, #tpu.memory_space<vmem>>
          %dma_start3A_330 = arith.constant 0 : i32
          %dma_start3A_331 = arith.constant 0 : i32
          %dma_start3A_332 = tpu.memref_slice %arg8[%dma_start3A_330, %dma_start3A_331] : memref<10240x128xf32, #tpu.memory_space<vmem_shared>> -> memref<10240x128xf32, #tpu.memory_space<vmem_shared>>
          tpu.enqueue_indirect_dma source(%dma_start3A_326 : memref<128x128xf32, #tpu.memory_space<vmem>>) target(%dma_start3A_332 : memref<10240x128xf32, #tpu.memory_space<vmem_shared>>) offsets(%dma_start3A_329 : memref<128xi32, #tpu.memory_space<vmem>>) semaphore(%run_scoped3A_322 : memref<!tpu.dma_semaphore, #tpu.memory_space<semaphore_mem>>) {add = true}
          %dma_wait3A_333 = arith.constant 0 : i32
          %dma_wait3A_334 = arith.constant 0 : i32
          %dma_wait3A_335 = tpu.memref_slice %arg7[%run_scoped3A_265, %dma_wait3A_333, %dma_wait3A_334] : memref<2x128x128xf32, #tpu.memory_space<vmem>> -> memref<1x128x128xf32, #tpu.memory_space<vmem>>
          %dma_wait3A_336 = tpu.memref_squeeze %dma_wait3A_335 : memref<1x128x128xf32, #tpu.memory_space<vmem>> -> memref<128x128xf32, #tpu.memory_space<vmem>>
          %dma_wait3A_337 = arith.constant 0 : i32
          %dma_wait3A_338 = tpu.memref_slice %arg6[%add3A_227, %dma_wait3A_337] : memref<40x128xi32, #tpu.memory_space<vmem>> -> memref<1x128xi32, #tpu.memory_space<vmem>>
          %dma_wait3A_339 = tpu.memref_squeeze %dma_wait3A_338 : memref<1x128xi32, #tpu.memory_space<vmem>> -> memref<128xi32, #tpu.memory_space<vmem>>
          %dma_wait3A_340 = arith.constant 0 : i32
          %dma_wait3A_341 = arith.constant 0 : i32
          %dma_wait3A_342 = tpu.memref_slice %arg8[%dma_wait3A_340, %dma_wait3A_341] : memref<10240x128xf32, #tpu.memory_space<vmem_shared>> -> memref<10240x128xf32, #tpu.memory_space<vmem_shared>>
          tpu.wait_indirect_dma semaphore(%run_scoped3A_322 : memref<!tpu.dma_semaphore, #tpu.memory_space<semaphore_mem>>) src(%dma_wait3A_336 : memref<128x128xf32, #tpu.memory_space<vmem>>) dst(%dma_wait3A_342 : memref<10240x128xf32, #tpu.memory_space<vmem_shared>>)
          tpu.yield
        }) : () -> ()
        %add3A_266 = arith.constant 2 : i32
        %add3A_267 = arith.addi %add3A_227, %add3A_266 : i32
        %lt3A = arith.constant 40 : i32
        %lt3A_268 = arith.cmpi slt, %add3A_267, %lt3A : i32
        %convert_element_type3A_269 = arith.extui %lt3A_268 : i1 to i32
        %cond3A_270 = arith.constant 0 : i32
        %cond3A_271 = arith.cmpi ne, %convert_element_type3A_269, %cond3A_270 : i32
        scf.if %cond3A_271 {
          %add3A_322 = arith.constant 2 : i32
          %add3A_323 = arith.addi %add3A_227, %add3A_322 : i32
          %dma_start3A_324 = arith.constant 0 : i32
          %dma_start3A_325 = arith.constant 0 : i32
          %dma_start3A_326 = arith.constant 0 : i32
          %dma_start3A_327 = arith.constant 0 : i32
          %dma_start3A_328 = tpu.memref_slice %arg7[%dma_start3A_324, %dma_start3A_326, %dma_start3A_327] : memref<2x128x128xf32, #tpu.memory_space<vmem>> -> memref<1x128x128xf32, #tpu.memory_space<vmem>>
          %dma_start3A_329 = tpu.memref_squeeze %dma_start3A_328 : memref<1x128x128xf32, #tpu.memory_space<vmem>> -> memref<128x128xf32, #tpu.memory_space<vmem>>
          %dma_start3A_330 = arith.constant 0 : i32
          %dma_start3A_331 = arith.constant 0 : i32
          %dma_start3A_332 = tpu.memref_slice %dma_start3A_329[%dma_start3A_330, %dma_start3A_331] : memref<128x128xf32, #tpu.memory_space<vmem>> -> memref<64x128xf32, #tpu.memory_space<vmem>>
          %dma_start3A_333 = arith.constant 0 : i32
          %dma_start3A_334 = tpu.memref_slice %arg5[%add3A_323, %dma_start3A_333] : memref<40x128xi32, #tpu.memory_space<vmem>> -> memref<1x128xi32, #tpu.memory_space<vmem>>
          %dma_start3A_335 = tpu.memref_squeeze %dma_start3A_334 : memref<1x128xi32, #tpu.memory_space<vmem>> -> memref<128xi32, #tpu.memory_space<vmem>>
          %dma_start3A_336 = arith.constant 0 : i32
          %dma_start3A_337 = tpu.memref_slice %dma_start3A_335[%dma_start3A_336] : memref<128xi32, #tpu.memory_space<vmem>> -> memref<64xi32, #tpu.memory_space<vmem>>
          %dma_start3A_338 = arith.constant 0 : i32
          %dma_start3A_339 = arith.constant 0 : i32
          %dma_start3A_340 = tpu.memref_slice %arg2[%dma_start3A_338, %dma_start3A_339] : memref<10000x128xf32, #tpu.memory_space<hbm>> -> memref<10000x128xf32, #tpu.memory_space<hbm>>
          %dma_start3A_341 = tpu.memref_slice %arg9[%dma_start3A_325] : memref<4x!tpu.dma_semaphore, #tpu.memory_space<semaphore_mem>> -> memref<1x!tpu.dma_semaphore, #tpu.memory_space<semaphore_mem>>
          %dma_start3A_342 = tpu.memref_squeeze %dma_start3A_341 : memref<1x!tpu.dma_semaphore, #tpu.memory_space<semaphore_mem>> -> memref<!tpu.dma_semaphore, #tpu.memory_space<semaphore_mem>>
          tpu.enqueue_indirect_dma source(%dma_start3A_340 : memref<10000x128xf32, #tpu.memory_space<hbm>>) target(%dma_start3A_332 : memref<64x128xf32, #tpu.memory_space<vmem>>) offsets(%dma_start3A_337 : memref<64xi32, #tpu.memory_space<vmem>>) semaphore(%dma_start3A_342 : memref<!tpu.dma_semaphore, #tpu.memory_space<semaphore_mem>>)
          %dma_start3A_343 = arith.constant 0 : i32
          %dma_start3A_344 = arith.constant 1 : i32
          %dma_start3A_345 = arith.constant 0 : i32
          %dma_start3A_346 = arith.constant 0 : i32
          %dma_start3A_347 = tpu.memref_slice %arg7[%dma_start3A_343, %dma_start3A_345, %dma_start3A_346] : memref<2x128x128xf32, #tpu.memory_space<vmem>> -> memref<1x128x128xf32, #tpu.memory_space<vmem>>
          %dma_start3A_348 = tpu.memref_squeeze %dma_start3A_347 : memref<1x128x128xf32, #tpu.memory_space<vmem>> -> memref<128x128xf32, #tpu.memory_space<vmem>>
          %dma_start3A_349 = arith.constant 64 : i32
          %dma_start3A_350 = arith.constant 0 : i32
          %dma_start3A_351 = tpu.memref_slice %dma_start3A_348[%dma_start3A_349, %dma_start3A_350] : memref<128x128xf32, #tpu.memory_space<vmem>> -> memref<64x128xf32, #tpu.memory_space<vmem>>
          %dma_start3A_352 = arith.constant 0 : i32
          %dma_start3A_353 = tpu.memref_slice %arg5[%add3A_323, %dma_start3A_352] : memref<40x128xi32, #tpu.memory_space<vmem>> -> memref<1x128xi32, #tpu.memory_space<vmem>>
          %dma_start3A_354 = tpu.memref_squeeze %dma_start3A_353 : memref<1x128xi32, #tpu.memory_space<vmem>> -> memref<128xi32, #tpu.memory_space<vmem>>
          %dma_start3A_355 = arith.constant 64 : i32
          %dma_start3A_356 = tpu.memref_slice %dma_start3A_354[%dma_start3A_355] : memref<128xi32, #tpu.memory_space<vmem>> -> memref<64xi32, #tpu.memory_space<vmem>>
          %dma_start3A_357 = arith.constant 0 : i32
          %dma_start3A_358 = arith.constant 0 : i32
          %dma_start3A_359 = tpu.memref_slice %arg2[%dma_start3A_357, %dma_start3A_358] : memref<10000x128xf32, #tpu.memory_space<hbm>> -> memref<10000x128xf32, #tpu.memory_space<hbm>>
          %dma_start3A_360 = tpu.memref_slice %arg9[%dma_start3A_344] : memref<4x!tpu.dma_semaphore, #tpu.memory_space<semaphore_mem>> -> memref<1x!tpu.dma_semaphore, #tpu.memory_space<semaphore_mem>>
          %dma_start3A_361 = tpu.memref_squeeze %dma_start3A_360 : memref<1x!tpu.dma_semaphore, #tpu.memory_space<semaphore_mem>> -> memref<!tpu.dma_semaphore, #tpu.memory_space<semaphore_mem>>
          tpu.enqueue_indirect_dma source(%dma_start3A_359 : memref<10000x128xf32, #tpu.memory_space<hbm>>) target(%dma_start3A_351 : memref<64x128xf32, #tpu.memory_space<vmem>>) offsets(%dma_start3A_356 : memref<64xi32, #tpu.memory_space<vmem>>) semaphore(%dma_start3A_361 : memref<!tpu.dma_semaphore, #tpu.memory_space<semaphore_mem>>)
        } else {
        }
        %mul3A_272 = arith.constant 2 : i32
        %mul3A_273 = arith.muli %scan3A_223, %mul3A_272 : i32
        %add3A_274 = arith.constant 1 : i32
        %add3A_275 = arith.addi %mul3A_273, %add3A_274 : i32
        %dma_wait3A_276 = arith.constant 1 : i32
        %dma_wait3A_277 = arith.constant 2 : i32
        %dma_wait3A_278 = arith.constant 0 : i32
        %dma_wait3A_279 = arith.constant 0 : i32
        %dma_wait3A_280 = tpu.memref_slice %arg7[%dma_wait3A_276, %dma_wait3A_278, %dma_wait3A_279] : memref<2x128x128xf32, #tpu.memory_space<vmem>> -> memref<1x128x128xf32, #tpu.memory_space<vmem>>
        %dma_wait3A_281 = tpu.memref_squeeze %dma_wait3A_280 : memref<1x128x128xf32, #tpu.memory_space<vmem>> -> memref<128x128xf32, #tpu.memory_space<vmem>>
        %dma_wait3A_282 = arith.constant 0 : i32
        %dma_wait3A_283 = arith.constant 0 : i32
        %dma_wait3A_284 = tpu.memref_slice %dma_wait3A_281[%dma_wait3A_282, %dma_wait3A_283] : memref<128x128xf32, #tpu.memory_space<vmem>> -> memref<64x128xf32, #tpu.memory_space<vmem>>
        %dma_wait3A_285 = arith.constant 0 : i32
        %dma_wait3A_286 = tpu.memref_slice %arg5[%add3A_275, %dma_wait3A_285] : memref<40x128xi32, #tpu.memory_space<vmem>> -> memref<1x128xi32, #tpu.memory_space<vmem>>
        %dma_wait3A_287 = tpu.memref_squeeze %dma_wait3A_286 : memref<1x128xi32, #tpu.memory_space<vmem>> -> memref<128xi32, #tpu.memory_space<vmem>>
        %dma_wait3A_288 = arith.constant 0 : i32
        %dma_wait3A_289 = tpu.memref_slice %dma_wait3A_287[%dma_wait3A_288] : memref<128xi32, #tpu.memory_space<vmem>> -> memref<64xi32, #tpu.memory_space<vmem>>
        %dma_wait3A_290 = arith.constant 0 : i32
        %dma_wait3A_291 = arith.constant 0 : i32
        %dma_wait3A_292 = tpu.memref_slice %arg2[%dma_wait3A_290, %dma_wait3A_291] : memref<10000x128xf32, #tpu.memory_space<hbm>> -> memref<10000x128xf32, #tpu.memory_space<hbm>>
        %dma_wait3A_293 = tpu.memref_slice %arg9[%dma_wait3A_277] : memref<4x!tpu.dma_semaphore, #tpu.memory_space<semaphore_mem>> -> memref<1x!tpu.dma_semaphore, #tpu.memory_space<semaphore_mem>>
        %dma_wait3A_294 = tpu.memref_squeeze %dma_wait3A_293 : memref<1x!tpu.dma_semaphore, #tpu.memory_space<semaphore_mem>> -> memref<!tpu.dma_semaphore, #tpu.memory_space<semaphore_mem>>
        tpu.wait_indirect_dma semaphore(%dma_wait3A_294 : memref<!tpu.dma_semaphore, #tpu.memory_space<semaphore_mem>>) src(%dma_wait3A_292 : memref<10000x128xf32, #tpu.memory_space<hbm>>) dst(%dma_wait3A_284 : memref<64x128xf32, #tpu.memory_space<vmem>>)
        %dma_wait3A_295 = arith.constant 1 : i32
        %dma_wait3A_296 = arith.constant 3 : i32
        %dma_wait3A_297 = arith.constant 0 : i32
        %dma_wait3A_298 = arith.constant 0 : i32
        %dma_wait3A_299 = tpu.memref_slice %arg7[%dma_wait3A_295, %dma_wait3A_297, %dma_wait3A_298] : memref<2x128x128xf32, #tpu.memory_space<vmem>> -> memref<1x128x128xf32, #tpu.memory_space<vmem>>
        %dma_wait3A_300 = tpu.memref_squeeze %dma_wait3A_299 : memref<1x128x128xf32, #tpu.memory_space<vmem>> -> memref<128x128xf32, #tpu.memory_space<vmem>>
        %dma_wait3A_301 = arith.constant 64 : i32
        %dma_wait3A_302 = arith.constant 0 : i32
        %dma_wait3A_303 = tpu.memref_slice %dma_wait3A_300[%dma_wait3A_301, %dma_wait3A_302] : memref<128x128xf32, #tpu.memory_space<vmem>> -> memref<64x128xf32, #tpu.memory_space<vmem>>
        %dma_wait3A_304 = arith.constant 0 : i32
        %dma_wait3A_305 = tpu.memref_slice %arg5[%add3A_275, %dma_wait3A_304] : memref<40x128xi32, #tpu.memory_space<vmem>> -> memref<1x128xi32, #tpu.memory_space<vmem>>
        %dma_wait3A_306 = tpu.memref_squeeze %dma_wait3A_305 : memref<1x128xi32, #tpu.memory_space<vmem>> -> memref<128xi32, #tpu.memory_space<vmem>>
        %dma_wait3A_307 = arith.constant 64 : i32
        %dma_wait3A_308 = tpu.memref_slice %dma_wait3A_306[%dma_wait3A_307] : memref<128xi32, #tpu.memory_space<vmem>> -> memref<64xi32, #tpu.memory_space<vmem>>
        %dma_wait3A_309 = arith.constant 0 : i32
        %dma_wait3A_310 = arith.constant 0 : i32
        %dma_wait3A_311 = tpu.memref_slice %arg2[%dma_wait3A_309, %dma_wait3A_310] : memref<10000x128xf32, #tpu.memory_space<hbm>> -> memref<10000x128xf32, #tpu.memory_space<hbm>>
        %dma_wait3A_312 = tpu.memref_slice %arg9[%dma_wait3A_296] : memref<4x!tpu.dma_semaphore, #tpu.memory_space<semaphore_mem>> -> memref<1x!tpu.dma_semaphore, #tpu.memory_space<semaphore_mem>>
        %dma_wait3A_313 = tpu.memref_squeeze %dma_wait3A_312 : memref<1x!tpu.dma_semaphore, #tpu.memory_space<semaphore_mem>> -> memref<!tpu.dma_semaphore, #tpu.memory_space<semaphore_mem>>
        tpu.wait_indirect_dma semaphore(%dma_wait3A_313 : memref<!tpu.dma_semaphore, #tpu.memory_space<semaphore_mem>>) src(%dma_wait3A_311 : memref<10000x128xf32, #tpu.memory_space<hbm>>) dst(%dma_wait3A_303 : memref<64x128xf32, #tpu.memory_space<vmem>>)
        %run_scoped3A_314 = arith.constant 1 : i32
        "tpu.region"() ({
          %run_scoped3A_322 = tpu.sem_alloc : memref<!tpu.dma_semaphore, #tpu.memory_space<semaphore_mem>>
          %dma_start3A_323 = arith.constant 0 : i32
          %dma_start3A_324 = arith.constant 0 : i32
          %dma_start3A_325 = tpu.memref_slice %arg7[%run_scoped3A_314, %dma_start3A_323, %dma_start3A_324] : memref<2x128x128xf32, #tpu.memory_space<vmem>> -> memref<1x128x128xf32, #tpu.memory_space<vmem>>
          %dma_start3A_326 = tpu.memref_squeeze %dma_start3A_325 : memref<1x128x128xf32, #tpu.memory_space<vmem>> -> memref<128x128xf32, #tpu.memory_space<vmem>>
          %dma_start3A_327 = arith.constant 0 : i32
          %dma_start3A_328 = tpu.memref_slice %arg6[%add3A_275, %dma_start3A_327] : memref<40x128xi32, #tpu.memory_space<vmem>> -> memref<1x128xi32, #tpu.memory_space<vmem>>
          %dma_start3A_329 = tpu.memref_squeeze %dma_start3A_328 : memref<1x128xi32, #tpu.memory_space<vmem>> -> memref<128xi32, #tpu.memory_space<vmem>>
          %dma_start3A_330 = arith.constant 0 : i32
          %dma_start3A_331 = arith.constant 0 : i32
          %dma_start3A_332 = tpu.memref_slice %arg8[%dma_start3A_330, %dma_start3A_331] : memref<10240x128xf32, #tpu.memory_space<vmem_shared>> -> memref<10240x128xf32, #tpu.memory_space<vmem_shared>>
          tpu.enqueue_indirect_dma source(%dma_start3A_326 : memref<128x128xf32, #tpu.memory_space<vmem>>) target(%dma_start3A_332 : memref<10240x128xf32, #tpu.memory_space<vmem_shared>>) offsets(%dma_start3A_329 : memref<128xi32, #tpu.memory_space<vmem>>) semaphore(%run_scoped3A_322 : memref<!tpu.dma_semaphore, #tpu.memory_space<semaphore_mem>>) {add = true}
          %dma_wait3A_333 = arith.constant 0 : i32
          %dma_wait3A_334 = arith.constant 0 : i32
          %dma_wait3A_335 = tpu.memref_slice %arg7[%run_scoped3A_314, %dma_wait3A_333, %dma_wait3A_334] : memref<2x128x128xf32, #tpu.memory_space<vmem>> -> memref<1x128x128xf32, #tpu.memory_space<vmem>>
          %dma_wait3A_336 = tpu.memref_squeeze %dma_wait3A_335 : memref<1x128x128xf32, #tpu.memory_space<vmem>> -> memref<128x128xf32, #tpu.memory_space<vmem>>
          %dma_wait3A_337 = arith.constant 0 : i32
          %dma_wait3A_338 = tpu.memref_slice %arg6[%add3A_275, %dma_wait3A_337] : memref<40x128xi32, #tpu.memory_space<vmem>> -> memref<1x128xi32, #tpu.memory_space<vmem>>
          %dma_wait3A_339 = tpu.memref_squeeze %dma_wait3A_338 : memref<1x128xi32, #tpu.memory_space<vmem>> -> memref<128xi32, #tpu.memory_space<vmem>>
          %dma_wait3A_340 = arith.constant 0 : i32
          %dma_wait3A_341 = arith.constant 0 : i32
          %dma_wait3A_342 = tpu.memref_slice %arg8[%dma_wait3A_340, %dma_wait3A_341] : memref<10240x128xf32, #tpu.memory_space<vmem_shared>> -> memref<10240x128xf32, #tpu.memory_space<vmem_shared>>
          tpu.wait_indirect_dma semaphore(%run_scoped3A_322 : memref<!tpu.dma_semaphore, #tpu.memory_space<semaphore_mem>>) src(%dma_wait3A_336 : memref<128x128xf32, #tpu.memory_space<vmem>>) dst(%dma_wait3A_342 : memref<10240x128xf32, #tpu.memory_space<vmem_shared>>)
          tpu.yield
        }) : () -> ()
        %add3A_315 = arith.constant 2 : i32
        %add3A_316 = arith.addi %add3A_275, %add3A_315 : i32
        %lt3A_317 = arith.constant 40 : i32
        %lt3A_318 = arith.cmpi slt, %add3A_316, %lt3A_317 : i32
        %convert_element_type3A_319 = arith.extui %lt3A_318 : i1 to i32
        %cond3A_320 = arith.constant 0 : i32
        %cond3A_321 = arith.cmpi ne, %convert_element_type3A_319, %cond3A_320 : i32
        scf.if %cond3A_321 {
          %add3A_322 = arith.constant 2 : i32
          %add3A_323 = arith.addi %add3A_275, %add3A_322 : i32
          %dma_start3A_324 = arith.constant 1 : i32
          %dma_start3A_325 = arith.constant 2 : i32
          %dma_start3A_326 = arith.constant 0 : i32
          %dma_start3A_327 = arith.constant 0 : i32
          %dma_start3A_328 = tpu.memref_slice %arg7[%dma_start3A_324, %dma_start3A_326, %dma_start3A_327] : memref<2x128x128xf32, #tpu.memory_space<vmem>> -> memref<1x128x128xf32, #tpu.memory_space<vmem>>
          %dma_start3A_329 = tpu.memref_squeeze %dma_start3A_328 : memref<1x128x128xf32, #tpu.memory_space<vmem>> -> memref<128x128xf32, #tpu.memory_space<vmem>>
          %dma_start3A_330 = arith.constant 0 : i32
          %dma_start3A_331 = arith.constant 0 : i32
          %dma_start3A_332 = tpu.memref_slice %dma_start3A_329[%dma_start3A_330, %dma_start3A_331] : memref<128x128xf32, #tpu.memory_space<vmem>> -> memref<64x128xf32, #tpu.memory_space<vmem>>
          %dma_start3A_333 = arith.constant 0 : i32
          %dma_start3A_334 = tpu.memref_slice %arg5[%add3A_323, %dma_start3A_333] : memref<40x128xi32, #tpu.memory_space<vmem>> -> memref<1x128xi32, #tpu.memory_space<vmem>>
          %dma_start3A_335 = tpu.memref_squeeze %dma_start3A_334 : memref<1x128xi32, #tpu.memory_space<vmem>> -> memref<128xi32, #tpu.memory_space<vmem>>
          %dma_start3A_336 = arith.constant 0 : i32
          %dma_start3A_337 = tpu.memref_slice %dma_start3A_335[%dma_start3A_336] : memref<128xi32, #tpu.memory_space<vmem>> -> memref<64xi32, #tpu.memory_space<vmem>>
          %dma_start3A_338 = arith.constant 0 : i32
          %dma_start3A_339 = arith.constant 0 : i32
          %dma_start3A_340 = tpu.memref_slice %arg2[%dma_start3A_338, %dma_start3A_339] : memref<10000x128xf32, #tpu.memory_space<hbm>> -> memref<10000x128xf32, #tpu.memory_space<hbm>>
          %dma_start3A_341 = tpu.memref_slice %arg9[%dma_start3A_325] : memref<4x!tpu.dma_semaphore, #tpu.memory_space<semaphore_mem>> -> memref<1x!tpu.dma_semaphore, #tpu.memory_space<semaphore_mem>>
          %dma_start3A_342 = tpu.memref_squeeze %dma_start3A_341 : memref<1x!tpu.dma_semaphore, #tpu.memory_space<semaphore_mem>> -> memref<!tpu.dma_semaphore, #tpu.memory_space<semaphore_mem>>
          tpu.enqueue_indirect_dma source(%dma_start3A_340 : memref<10000x128xf32, #tpu.memory_space<hbm>>) target(%dma_start3A_332 : memref<64x128xf32, #tpu.memory_space<vmem>>) offsets(%dma_start3A_337 : memref<64xi32, #tpu.memory_space<vmem>>) semaphore(%dma_start3A_342 : memref<!tpu.dma_semaphore, #tpu.memory_space<semaphore_mem>>)
          %dma_start3A_343 = arith.constant 1 : i32
          %dma_start3A_344 = arith.constant 3 : i32
          %dma_start3A_345 = arith.constant 0 : i32
          %dma_start3A_346 = arith.constant 0 : i32
          %dma_start3A_347 = tpu.memref_slice %arg7[%dma_start3A_343, %dma_start3A_345, %dma_start3A_346] : memref<2x128x128xf32, #tpu.memory_space<vmem>> -> memref<1x128x128xf32, #tpu.memory_space<vmem>>
          %dma_start3A_348 = tpu.memref_squeeze %dma_start3A_347 : memref<1x128x128xf32, #tpu.memory_space<vmem>> -> memref<128x128xf32, #tpu.memory_space<vmem>>
          %dma_start3A_349 = arith.constant 64 : i32
          %dma_start3A_350 = arith.constant 0 : i32
          %dma_start3A_351 = tpu.memref_slice %dma_start3A_348[%dma_start3A_349, %dma_start3A_350] : memref<128x128xf32, #tpu.memory_space<vmem>> -> memref<64x128xf32, #tpu.memory_space<vmem>>
          %dma_start3A_352 = arith.constant 0 : i32
          %dma_start3A_353 = tpu.memref_slice %arg5[%add3A_323, %dma_start3A_352] : memref<40x128xi32, #tpu.memory_space<vmem>> -> memref<1x128xi32, #tpu.memory_space<vmem>>
          %dma_start3A_354 = tpu.memref_squeeze %dma_start3A_353 : memref<1x128xi32, #tpu.memory_space<vmem>> -> memref<128xi32, #tpu.memory_space<vmem>>
          %dma_start3A_355 = arith.constant 64 : i32
          %dma_start3A_356 = tpu.memref_slice %dma_start3A_354[%dma_start3A_355] : memref<128xi32, #tpu.memory_space<vmem>> -> memref<64xi32, #tpu.memory_space<vmem>>
          %dma_start3A_357 = arith.constant 0 : i32
          %dma_start3A_358 = arith.constant 0 : i32
          %dma_start3A_359 = tpu.memref_slice %arg2[%dma_start3A_357, %dma_start3A_358] : memref<10000x128xf32, #tpu.memory_space<hbm>> -> memref<10000x128xf32, #tpu.memory_space<hbm>>
          %dma_start3A_360 = tpu.memref_slice %arg9[%dma_start3A_344] : memref<4x!tpu.dma_semaphore, #tpu.memory_space<semaphore_mem>> -> memref<1x!tpu.dma_semaphore, #tpu.memory_space<semaphore_mem>>
          %dma_start3A_361 = tpu.memref_squeeze %dma_start3A_360 : memref<1x!tpu.dma_semaphore, #tpu.memory_space<semaphore_mem>> -> memref<!tpu.dma_semaphore, #tpu.memory_space<semaphore_mem>>
          tpu.enqueue_indirect_dma source(%dma_start3A_359 : memref<10000x128xf32, #tpu.memory_space<hbm>>) target(%dma_start3A_351 : memref<64x128xf32, #tpu.memory_space<vmem>>) offsets(%dma_start3A_356 : memref<64xi32, #tpu.memory_space<vmem>>) semaphore(%dma_start3A_361 : memref<!tpu.dma_semaphore, #tpu.memory_space<semaphore_mem>>)
        } else {
        }
      }
      %scan3A_134 = arith.constant 20 : i32
      %add3A_135 = arith.constant 40 : i32
      %add3A_136 = arith.addi %multiple_of3A, %add3A_135 : i32
      "tpu.region"() ({
        %run_scoped3A_223 = tpu.sem_alloc : memref<!tpu.dma_semaphore, #tpu.memory_space<semaphore_mem>>
        %dma_start3A_224 = arith.constant 0 : i32
        %dma_start3A_225 = arith.constant 0 : i32
        %dma_start3A_226 = tpu.memref_slice %arg5[%dma_start3A_224, %dma_start3A_225] : memref<40x128xi32, #tpu.memory_space<vmem>> -> memref<40x128xi32, #tpu.memory_space<vmem>>
        %dma_start3A_227 = arith.constant 0 : i32
        %dma_start3A_228 = arith.constant 0 : i32
        %dma_start3A_229 = tpu.memref_slice %arg3[%cond3A, %dma_start3A_227, %dma_start3A_228] : memref<2x2500x128xi32, #tpu.memory_space<hbm>> -> memref<1x2500x128xi32, #tpu.memory_space<hbm>>
        %dma_start3A_230 = tpu.memref_squeeze %dma_start3A_229 : memref<1x2500x128xi32, #tpu.memory_space<hbm>> -> memref<2500x128xi32, #tpu.memory_space<hbm>>
        %dma_start3A_231 = arith.constant 0 : i32
        %dma_start3A_232 = tpu.memref_slice %dma_start3A_230[%add3A_136, %dma_start3A_231] : memref<2500x128xi32, #tpu.memory_space<hbm>> -> memref<40x128xi32, #tpu.memory_space<hbm>>
        %dma_start3A_233 = arith.constant 0 : i32
        %dma_start3A_234 = arith.constant 0 : i32
        %dma_start3A_235 = tpu.memref_slice %arg5[%dma_start3A_233, %dma_start3A_234] : memref<40x128xi32, #tpu.memory_space<vmem>> -> memref<40x128xi32, #tpu.memory_space<vmem>>
        %dma_start3A_236 = arith.constant 0 : i32
        %dma_start3A_237 = arith.constant 0 : i32
        %dma_start3A_238 = tpu.memref_slice %arg3[%cond3A, %dma_start3A_236, %dma_start3A_237] : memref<2x2500x128xi32, #tpu.memory_space<hbm>> -> memref<1x2500x128xi32, #tpu.memory_space<hbm>>
        %dma_start3A_239 = tpu.memref_squeeze %dma_start3A_238 : memref<1x2500x128xi32, #tpu.memory_space<hbm>> -> memref<2500x128xi32, #tpu.memory_space<hbm>>
        %dma_start3A_240 = arith.constant 0 : i32
        %dma_start3A_241 = tpu.memref_slice %dma_start3A_239[%add3A_136, %dma_start3A_240] : memref<2500x128xi32, #tpu.memory_space<hbm>> -> memref<40x128xi32, #tpu.memory_space<hbm>>
        tpu.enqueue_dma source(%dma_start3A_241 : memref<40x128xi32, #tpu.memory_space<hbm>>) target(%dma_start3A_235 : memref<40x128xi32, #tpu.memory_space<vmem>>) target_semaphore(%run_scoped3A_223 : memref<!tpu.dma_semaphore, #tpu.memory_space<semaphore_mem>>)
        %dma_wait3A = arith.constant 0 : i32
        %dma_wait3A_242 = arith.constant 0 : i32
        %dma_wait3A_243 = tpu.memref_slice %arg5[%dma_wait3A, %dma_wait3A_242] : memref<40x128xi32, #tpu.memory_space<vmem>> -> memref<40x128xi32, #tpu.memory_space<vmem>>
        %dma_wait3A_244 = arith.constant 0 : i32
        %dma_wait3A_245 = arith.constant 0 : i32
        %dma_wait3A_246 = tpu.memref_slice %arg3[%cond3A, %dma_wait3A_244, %dma_wait3A_245] : memref<2x2500x128xi32, #tpu.memory_space<hbm>> -> memref<1x2500x128xi32, #tpu.memory_space<hbm>>
        %dma_wait3A_247 = tpu.memref_squeeze %dma_wait3A_246 : memref<1x2500x128xi32, #tpu.memory_space<hbm>> -> memref<2500x128xi32, #tpu.memory_space<hbm>>
        %dma_wait3A_248 = arith.constant 0 : i32
        %dma_wait3A_249 = tpu.memref_slice %dma_wait3A_247[%add3A_136, %dma_wait3A_248] : memref<2500x128xi32, #tpu.memory_space<hbm>> -> memref<40x128xi32, #tpu.memory_space<hbm>>
        %dma_wait3A_250 = arith.constant 0 : i32
        %dma_wait3A_251 = arith.constant 0 : i32
        %dma_wait3A_252 = tpu.memref_slice %arg5[%dma_wait3A_250, %dma_wait3A_251] : memref<40x128xi32, #tpu.memory_space<vmem>> -> memref<40x128xi32, #tpu.memory_space<vmem>>
        %dma_wait3A_253 = arith.constant 0 : i32
        %dma_wait3A_254 = arith.constant 0 : i32
        %dma_wait3A_255 = tpu.memref_slice %arg3[%cond3A, %dma_wait3A_253, %dma_wait3A_254] : memref<2x2500x128xi32, #tpu.memory_space<hbm>> -> memref<1x2500x128xi32, #tpu.memory_space<hbm>>
        %dma_wait3A_256 = tpu.memref_squeeze %dma_wait3A_255 : memref<1x2500x128xi32, #tpu.memory_space<hbm>> -> memref<2500x128xi32, #tpu.memory_space<hbm>>
        %dma_wait3A_257 = arith.constant 0 : i32
        %dma_wait3A_258 = tpu.memref_slice %dma_wait3A_256[%add3A_136, %dma_wait3A_257] : memref<2500x128xi32, #tpu.memory_space<hbm>> -> memref<40x128xi32, #tpu.memory_space<hbm>>
        tpu.wait_dma2 semaphore(%run_scoped3A_223 : memref<!tpu.dma_semaphore, #tpu.memory_space<semaphore_mem>>) src(%dma_wait3A_258 : memref<40x128xi32, #tpu.memory_space<hbm>>) dst(%dma_wait3A_252 : memref<40x128xi32, #tpu.memory_space<vmem>>)
        tpu.yield
      }) : () -> ()
      "tpu.region"() ({
        %run_scoped3A_223 = tpu.sem_alloc : memref<!tpu.dma_semaphore, #tpu.memory_space<semaphore_mem>>
        %dma_start3A_224 = arith.constant 0 : i32
        %dma_start3A_225 = arith.constant 0 : i32
        %dma_start3A_226 = tpu.memref_slice %arg6[%dma_start3A_224, %dma_start3A_225] : memref<40x128xi32, #tpu.memory_space<vmem>> -> memref<40x128xi32, #tpu.memory_space<vmem>>
        %dma_start3A_227 = arith.constant 0 : i32
        %dma_start3A_228 = arith.constant 0 : i32
        %dma_start3A_229 = tpu.memref_slice %arg3[%cond3A_35, %dma_start3A_227, %dma_start3A_228] : memref<2x2500x128xi32, #tpu.memory_space<hbm>> -> memref<1x2500x128xi32, #tpu.memory_space<hbm>>
        %dma_start3A_230 = tpu.memref_squeeze %dma_start3A_229 : memref<1x2500x128xi32, #tpu.memory_space<hbm>> -> memref<2500x128xi32, #tpu.memory_space<hbm>>
        %dma_start3A_231 = arith.constant 0 : i32
        %dma_start3A_232 = tpu.memref_slice %dma_start3A_230[%add3A_136, %dma_start3A_231] : memref<2500x128xi32, #tpu.memory_space<hbm>> -> memref<40x128xi32, #tpu.memory_space<hbm>>
        %dma_start3A_233 = arith.constant 0 : i32
        %dma_start3A_234 = arith.constant 0 : i32
        %dma_start3A_235 = tpu.memref_slice %arg6[%dma_start3A_233, %dma_start3A_234] : memref<40x128xi32, #tpu.memory_space<vmem>> -> memref<40x128xi32, #tpu.memory_space<vmem>>
        %dma_start3A_236 = arith.constant 0 : i32
        %dma_start3A_237 = arith.constant 0 : i32
        %dma_start3A_238 = tpu.memref_slice %arg3[%cond3A_35, %dma_start3A_236, %dma_start3A_237] : memref<2x2500x128xi32, #tpu.memory_space<hbm>> -> memref<1x2500x128xi32, #tpu.memory_space<hbm>>
        %dma_start3A_239 = tpu.memref_squeeze %dma_start3A_238 : memref<1x2500x128xi32, #tpu.memory_space<hbm>> -> memref<2500x128xi32, #tpu.memory_space<hbm>>
        %dma_start3A_240 = arith.constant 0 : i32
        %dma_start3A_241 = tpu.memref_slice %dma_start3A_239[%add3A_136, %dma_start3A_240] : memref<2500x128xi32, #tpu.memory_space<hbm>> -> memref<40x128xi32, #tpu.memory_space<hbm>>
        tpu.enqueue_dma source(%dma_start3A_241 : memref<40x128xi32, #tpu.memory_space<hbm>>) target(%dma_start3A_235 : memref<40x128xi32, #tpu.memory_space<vmem>>) target_semaphore(%run_scoped3A_223 : memref<!tpu.dma_semaphore, #tpu.memory_space<semaphore_mem>>)
        %dma_wait3A = arith.constant 0 : i32
        %dma_wait3A_242 = arith.constant 0 : i32
        %dma_wait3A_243 = tpu.memref_slice %arg6[%dma_wait3A, %dma_wait3A_242] : memref<40x128xi32, #tpu.memory_space<vmem>> -> memref<40x128xi32, #tpu.memory_space<vmem>>
        %dma_wait3A_244 = arith.constant 0 : i32
        %dma_wait3A_245 = arith.constant 0 : i32
        %dma_wait3A_246 = tpu.memref_slice %arg3[%cond3A_35, %dma_wait3A_244, %dma_wait3A_245] : memref<2x2500x128xi32, #tpu.memory_space<hbm>> -> memref<1x2500x128xi32, #tpu.memory_space<hbm>>
        %dma_wait3A_247 = tpu.memref_squeeze %dma_wait3A_246 : memref<1x2500x128xi32, #tpu.memory_space<hbm>> -> memref<2500x128xi32, #tpu.memory_space<hbm>>
        %dma_wait3A_248 = arith.constant 0 : i32
        %dma_wait3A_249 = tpu.memref_slice %dma_wait3A_247[%add3A_136, %dma_wait3A_248] : memref<2500x128xi32, #tpu.memory_space<hbm>> -> memref<40x128xi32, #tpu.memory_space<hbm>>
        %dma_wait3A_250 = arith.constant 0 : i32
        %dma_wait3A_251 = arith.constant 0 : i32
        %dma_wait3A_252 = tpu.memref_slice %arg6[%dma_wait3A_250, %dma_wait3A_251] : memref<40x128xi32, #tpu.memory_space<vmem>> -> memref<40x128xi32, #tpu.memory_space<vmem>>
        %dma_wait3A_253 = arith.constant 0 : i32
        %dma_wait3A_254 = arith.constant 0 : i32
        %dma_wait3A_255 = tpu.memref_slice %arg3[%cond3A_35, %dma_wait3A_253, %dma_wait3A_254] : memref<2x2500x128xi32, #tpu.memory_space<hbm>> -> memref<1x2500x128xi32, #tpu.memory_space<hbm>>
        %dma_wait3A_256 = tpu.memref_squeeze %dma_wait3A_255 : memref<1x2500x128xi32, #tpu.memory_space<hbm>> -> memref<2500x128xi32, #tpu.memory_space<hbm>>
        %dma_wait3A_257 = arith.constant 0 : i32
        %dma_wait3A_258 = tpu.memref_slice %dma_wait3A_256[%add3A_136, %dma_wait3A_257] : memref<2500x128xi32, #tpu.memory_space<hbm>> -> memref<40x128xi32, #tpu.memory_space<hbm>>
        tpu.wait_dma2 semaphore(%run_scoped3A_223 : memref<!tpu.dma_semaphore, #tpu.memory_space<semaphore_mem>>) src(%dma_wait3A_258 : memref<40x128xi32, #tpu.memory_space<hbm>>) dst(%dma_wait3A_252 : memref<40x128xi32, #tpu.memory_space<vmem>>)
        tpu.yield
      }) : () -> ()
      %dma_start3A_137 = arith.constant 0 : i32
      %dma_start3A_138 = arith.constant 0 : i32
      %dma_start3A_139 = arith.constant 0 : i32
      %dma_start3A_140 = arith.constant 0 : i32
      %dma_start3A_141 = arith.constant 0 : i32
      %dma_start3A_142 = tpu.memref_slice %arg7[%dma_start3A_138, %dma_start3A_140, %dma_start3A_141] : memref<2x128x128xf32, #tpu.memory_space<vmem>> -> memref<1x128x128xf32, #tpu.memory_space<vmem>>
      %dma_start3A_143 = tpu.memref_squeeze %dma_start3A_142 : memref<1x128x128xf32, #tpu.memory_space<vmem>> -> memref<128x128xf32, #tpu.memory_space<vmem>>
      %dma_start3A_144 = arith.constant 0 : i32
      %dma_start3A_145 = arith.constant 0 : i32
      %dma_start3A_146 = tpu.memref_slice %dma_start3A_143[%dma_start3A_144, %dma_start3A_145] : memref<128x128xf32, #tpu.memory_space<vmem>> -> memref<64x128xf32, #tpu.memory_space<vmem>>
      %dma_start3A_147 = arith.constant 0 : i32
      %dma_start3A_148 = tpu.memref_slice %arg5[%dma_start3A_137, %dma_start3A_147] : memref<40x128xi32, #tpu.memory_space<vmem>> -> memref<1x128xi32, #tpu.memory_space<vmem>>
      %dma_start3A_149 = tpu.memref_squeeze %dma_start3A_148 : memref<1x128xi32, #tpu.memory_space<vmem>> -> memref<128xi32, #tpu.memory_space<vmem>>
      %dma_start3A_150 = arith.constant 0 : i32
      %dma_start3A_151 = tpu.memref_slice %dma_start3A_149[%dma_start3A_150] : memref<128xi32, #tpu.memory_space<vmem>> -> memref<64xi32, #tpu.memory_space<vmem>>
      %dma_start3A_152 = arith.constant 0 : i32
      %dma_start3A_153 = arith.constant 0 : i32
      %dma_start3A_154 = tpu.memref_slice %arg2[%dma_start3A_152, %dma_start3A_153] : memref<10000x128xf32, #tpu.memory_space<hbm>> -> memref<10000x128xf32, #tpu.memory_space<hbm>>
      %dma_start3A_155 = tpu.memref_slice %arg9[%dma_start3A_139] : memref<4x!tpu.dma_semaphore, #tpu.memory_space<semaphore_mem>> -> memref<1x!tpu.dma_semaphore, #tpu.memory_space<semaphore_mem>>
      %dma_start3A_156 = tpu.memref_squeeze %dma_start3A_155 : memref<1x!tpu.dma_semaphore, #tpu.memory_space<semaphore_mem>> -> memref<!tpu.dma_semaphore, #tpu.memory_space<semaphore_mem>>
      tpu.enqueue_indirect_dma source(%dma_start3A_154 : memref<10000x128xf32, #tpu.memory_space<hbm>>) target(%dma_start3A_146 : memref<64x128xf32, #tpu.memory_space<vmem>>) offsets(%dma_start3A_151 : memref<64xi32, #tpu.memory_space<vmem>>) semaphore(%dma_start3A_156 : memref<!tpu.dma_semaphore, #tpu.memory_space<semaphore_mem>>)
      %dma_start3A_157 = arith.constant 0 : i32
      %dma_start3A_158 = arith.constant 0 : i32
      %dma_start3A_159 = arith.constant 1 : i32
      %dma_start3A_160 = arith.constant 0 : i32
      %dma_start3A_161 = arith.constant 0 : i32
      %dma_start3A_162 = tpu.memref_slice %arg7[%dma_start3A_158, %dma_start3A_160, %dma_start3A_161] : memref<2x128x128xf32, #tpu.memory_space<vmem>> -> memref<1x128x128xf32, #tpu.memory_space<vmem>>
      %dma_start3A_163 = tpu.memref_squeeze %dma_start3A_162 : memref<1x128x128xf32, #tpu.memory_space<vmem>> -> memref<128x128xf32, #tpu.memory_space<vmem>>
      %dma_start3A_164 = arith.constant 64 : i32
      %dma_start3A_165 = arith.constant 0 : i32
      %dma_start3A_166 = tpu.memref_slice %dma_start3A_163[%dma_start3A_164, %dma_start3A_165] : memref<128x128xf32, #tpu.memory_space<vmem>> -> memref<64x128xf32, #tpu.memory_space<vmem>>
      %dma_start3A_167 = arith.constant 0 : i32
      %dma_start3A_168 = tpu.memref_slice %arg5[%dma_start3A_157, %dma_start3A_167] : memref<40x128xi32, #tpu.memory_space<vmem>> -> memref<1x128xi32, #tpu.memory_space<vmem>>
      %dma_start3A_169 = tpu.memref_squeeze %dma_start3A_168 : memref<1x128xi32, #tpu.memory_space<vmem>> -> memref<128xi32, #tpu.memory_space<vmem>>
      %dma_start3A_170 = arith.constant 64 : i32
      %dma_start3A_171 = tpu.memref_slice %dma_start3A_169[%dma_start3A_170] : memref<128xi32, #tpu.memory_space<vmem>> -> memref<64xi32, #tpu.memory_space<vmem>>
      %dma_start3A_172 = arith.constant 0 : i32
      %dma_start3A_173 = arith.constant 0 : i32
      %dma_start3A_174 = tpu.memref_slice %arg2[%dma_start3A_172, %dma_start3A_173] : memref<10000x128xf32, #tpu.memory_space<hbm>> -> memref<10000x128xf32, #tpu.memory_space<hbm>>
      %dma_start3A_175 = tpu.memref_slice %arg9[%dma_start3A_159] : memref<4x!tpu.dma_semaphore, #tpu.memory_space<semaphore_mem>> -> memref<1x!tpu.dma_semaphore, #tpu.memory_space<semaphore_mem>>
      %dma_start3A_176 = tpu.memref_squeeze %dma_start3A_175 : memref<1x!tpu.dma_semaphore, #tpu.memory_space<semaphore_mem>> -> memref<!tpu.dma_semaphore, #tpu.memory_space<semaphore_mem>>
      tpu.enqueue_indirect_dma source(%dma_start3A_174 : memref<10000x128xf32, #tpu.memory_space<hbm>>) target(%dma_start3A_166 : memref<64x128xf32, #tpu.memory_space<vmem>>) offsets(%dma_start3A_171 : memref<64xi32, #tpu.memory_space<vmem>>) semaphore(%dma_start3A_176 : memref<!tpu.dma_semaphore, #tpu.memory_space<semaphore_mem>>)
      %dma_start3A_177 = arith.constant 1 : i32
      %dma_start3A_178 = arith.constant 1 : i32
      %dma_start3A_179 = arith.constant 2 : i32
      %dma_start3A_180 = arith.constant 0 : i32
      %dma_start3A_181 = arith.constant 0 : i32
      %dma_start3A_182 = tpu.memref_slice %arg7[%dma_start3A_178, %dma_start3A_180, %dma_start3A_181] : memref<2x128x128xf32, #tpu.memory_space<vmem>> -> memref<1x128x128xf32, #tpu.memory_space<vmem>>
      %dma_start3A_183 = tpu.memref_squeeze %dma_start3A_182 : memref<1x128x128xf32, #tpu.memory_space<vmem>> -> memref<128x128xf32, #tpu.memory_space<vmem>>
      %dma_start3A_184 = arith.constant 0 : i32
      %dma_start3A_185 = arith.constant 0 : i32
      %dma_start3A_186 = tpu.memref_slice %dma_start3A_183[%dma_start3A_184, %dma_start3A_185] : memref<128x128xf32, #tpu.memory_space<vmem>> -> memref<64x128xf32, #tpu.memory_space<vmem>>
      %dma_start3A_187 = arith.constant 0 : i32
      %dma_start3A_188 = tpu.memref_slice %arg5[%dma_start3A_177, %dma_start3A_187] : memref<40x128xi32, #tpu.memory_space<vmem>> -> memref<1x128xi32, #tpu.memory_space<vmem>>
      %dma_start3A_189 = tpu.memref_squeeze %dma_start3A_188 : memref<1x128xi32, #tpu.memory_space<vmem>> -> memref<128xi32, #tpu.memory_space<vmem>>
      %dma_start3A_190 = arith.constant 0 : i32
      %dma_start3A_191 = tpu.memref_slice %dma_start3A_189[%dma_start3A_190] : memref<128xi32, #tpu.memory_space<vmem>> -> memref<64xi32, #tpu.memory_space<vmem>>
      %dma_start3A_192 = arith.constant 0 : i32
      %dma_start3A_193 = arith.constant 0 : i32
      %dma_start3A_194 = tpu.memref_slice %arg2[%dma_start3A_192, %dma_start3A_193] : memref<10000x128xf32, #tpu.memory_space<hbm>> -> memref<10000x128xf32, #tpu.memory_space<hbm>>
      %dma_start3A_195 = tpu.memref_slice %arg9[%dma_start3A_179] : memref<4x!tpu.dma_semaphore, #tpu.memory_space<semaphore_mem>> -> memref<1x!tpu.dma_semaphore, #tpu.memory_space<semaphore_mem>>
      %dma_start3A_196 = tpu.memref_squeeze %dma_start3A_195 : memref<1x!tpu.dma_semaphore, #tpu.memory_space<semaphore_mem>> -> memref<!tpu.dma_semaphore, #tpu.memory_space<semaphore_mem>>
      tpu.enqueue_indirect_dma source(%dma_start3A_194 : memref<10000x128xf32, #tpu.memory_space<hbm>>) target(%dma_start3A_186 : memref<64x128xf32, #tpu.memory_space<vmem>>) offsets(%dma_start3A_191 : memref<64xi32, #tpu.memory_space<vmem>>) semaphore(%dma_start3A_196 : memref<!tpu.dma_semaphore, #tpu.memory_space<semaphore_mem>>)
      %dma_start3A_197 = arith.constant 1 : i32
      %dma_start3A_198 = arith.constant 1 : i32
      %dma_start3A_199 = arith.constant 3 : i32
      %dma_start3A_200 = arith.constant 0 : i32
      %dma_start3A_201 = arith.constant 0 : i32
      %dma_start3A_202 = tpu.memref_slice %arg7[%dma_start3A_198, %dma_start3A_200, %dma_start3A_201] : memref<2x128x128xf32, #tpu.memory_space<vmem>> -> memref<1x128x128xf32, #tpu.memory_space<vmem>>
      %dma_start3A_203 = tpu.memref_squeeze %dma_start3A_202 : memref<1x128x128xf32, #tpu.memory_space<vmem>> -> memref<128x128xf32, #tpu.memory_space<vmem>>
      %dma_start3A_204 = arith.constant 64 : i32
      %dma_start3A_205 = arith.constant 0 : i32
      %dma_start3A_206 = tpu.memref_slice %dma_start3A_203[%dma_start3A_204, %dma_start3A_205] : memref<128x128xf32, #tpu.memory_space<vmem>> -> memref<64x128xf32, #tpu.memory_space<vmem>>
      %dma_start3A_207 = arith.constant 0 : i32
      %dma_start3A_208 = tpu.memref_slice %arg5[%dma_start3A_197, %dma_start3A_207] : memref<40x128xi32, #tpu.memory_space<vmem>> -> memref<1x128xi32, #tpu.memory_space<vmem>>
      %dma_start3A_209 = tpu.memref_squeeze %dma_start3A_208 : memref<1x128xi32, #tpu.memory_space<vmem>> -> memref<128xi32, #tpu.memory_space<vmem>>
      %dma_start3A_210 = arith.constant 64 : i32
      %dma_start3A_211 = tpu.memref_slice %dma_start3A_209[%dma_start3A_210] : memref<128xi32, #tpu.memory_space<vmem>> -> memref<64xi32, #tpu.memory_space<vmem>>
      %dma_start3A_212 = arith.constant 0 : i32
      %dma_start3A_213 = arith.constant 0 : i32
      %dma_start3A_214 = tpu.memref_slice %arg2[%dma_start3A_212, %dma_start3A_213] : memref<10000x128xf32, #tpu.memory_space<hbm>> -> memref<10000x128xf32, #tpu.memory_space<hbm>>
      %dma_start3A_215 = tpu.memref_slice %arg9[%dma_start3A_199] : memref<4x!tpu.dma_semaphore, #tpu.memory_space<semaphore_mem>> -> memref<1x!tpu.dma_semaphore, #tpu.memory_space<semaphore_mem>>
      %dma_start3A_216 = tpu.memref_squeeze %dma_start3A_215 : memref<1x!tpu.dma_semaphore, #tpu.memory_space<semaphore_mem>> -> memref<!tpu.dma_semaphore, #tpu.memory_space<semaphore_mem>>
      tpu.enqueue_indirect_dma source(%dma_start3A_214 : memref<10000x128xf32, #tpu.memory_space<hbm>>) target(%dma_start3A_206 : memref<64x128xf32, #tpu.memory_space<vmem>>) offsets(%dma_start3A_211 : memref<64xi32, #tpu.memory_space<vmem>>) semaphore(%dma_start3A_216 : memref<!tpu.dma_semaphore, #tpu.memory_space<semaphore_mem>>)
      %scan3A_217 = arith.constant 0 : i32
      %scan3A_218 = arith.constant 0 : i32
      %scan3A_219 = arith.constant 20 : i32
      %scan3A_220 = arith.addi %scan3A_218, %scan3A_219 : i32
      %scan3A_221 = arith.constant 1 : i32
      scf.for %scan3A_223 = %scan3A_218 to %scan3A_220 step %scan3A_221  : i32 {
        %mul3A_224 = arith.constant 2 : i32
        %mul3A_225 = arith.muli %scan3A_223, %mul3A_224 : i32
        %add3A_226 = arith.constant 0 : i32
        %add3A_227 = arith.addi %mul3A_225, %add3A_226 : i32
        %dma_wait3A = arith.constant 0 : i32
        %dma_wait3A_228 = arith.constant 0 : i32
        %dma_wait3A_229 = arith.constant 0 : i32
        %dma_wait3A_230 = arith.constant 0 : i32
        %dma_wait3A_231 = tpu.memref_slice %arg7[%dma_wait3A, %dma_wait3A_229, %dma_wait3A_230] : memref<2x128x128xf32, #tpu.memory_space<vmem>> -> memref<1x128x128xf32, #tpu.memory_space<vmem>>
        %dma_wait3A_232 = tpu.memref_squeeze %dma_wait3A_231 : memref<1x128x128xf32, #tpu.memory_space<vmem>> -> memref<128x128xf32, #tpu.memory_space<vmem>>
        %dma_wait3A_233 = arith.constant 0 : i32
        %dma_wait3A_234 = arith.constant 0 : i32
        %dma_wait3A_235 = tpu.memref_slice %dma_wait3A_232[%dma_wait3A_233, %dma_wait3A_234] : memref<128x128xf32, #tpu.memory_space<vmem>> -> memref<64x128xf32, #tpu.memory_space<vmem>>
        %dma_wait3A_236 = arith.constant 0 : i32
        %dma_wait3A_237 = tpu.memref_slice %arg5[%add3A_227, %dma_wait3A_236] : memref<40x128xi32, #tpu.memory_space<vmem>> -> memref<1x128xi32, #tpu.memory_space<vmem>>
        %dma_wait3A_238 = tpu.memref_squeeze %dma_wait3A_237 : memref<1x128xi32, #tpu.memory_space<vmem>> -> memref<128xi32, #tpu.memory_space<vmem>>
        %dma_wait3A_239 = arith.constant 0 : i32
        %dma_wait3A_240 = tpu.memref_slice %dma_wait3A_238[%dma_wait3A_239] : memref<128xi32, #tpu.memory_space<vmem>> -> memref<64xi32, #tpu.memory_space<vmem>>
        %dma_wait3A_241 = arith.constant 0 : i32
        %dma_wait3A_242 = arith.constant 0 : i32
        %dma_wait3A_243 = tpu.memref_slice %arg2[%dma_wait3A_241, %dma_wait3A_242] : memref<10000x128xf32, #tpu.memory_space<hbm>> -> memref<10000x128xf32, #tpu.memory_space<hbm>>
        %dma_wait3A_244 = tpu.memref_slice %arg9[%dma_wait3A_228] : memref<4x!tpu.dma_semaphore, #tpu.memory_space<semaphore_mem>> -> memref<1x!tpu.dma_semaphore, #tpu.memory_space<semaphore_mem>>
        %dma_wait3A_245 = tpu.memref_squeeze %dma_wait3A_244 : memref<1x!tpu.dma_semaphore, #tpu.memory_space<semaphore_mem>> -> memref<!tpu.dma_semaphore, #tpu.memory_space<semaphore_mem>>
        tpu.wait_indirect_dma semaphore(%dma_wait3A_245 : memref<!tpu.dma_semaphore, #tpu.memory_space<semaphore_mem>>) src(%dma_wait3A_243 : memref<10000x128xf32, #tpu.memory_space<hbm>>) dst(%dma_wait3A_235 : memref<64x128xf32, #tpu.memory_space<vmem>>)
        %dma_wait3A_246 = arith.constant 0 : i32
        %dma_wait3A_247 = arith.constant 1 : i32
        %dma_wait3A_248 = arith.constant 0 : i32
        %dma_wait3A_249 = arith.constant 0 : i32
        %dma_wait3A_250 = tpu.memref_slice %arg7[%dma_wait3A_246, %dma_wait3A_248, %dma_wait3A_249] : memref<2x128x128xf32, #tpu.memory_space<vmem>> -> memref<1x128x128xf32, #tpu.memory_space<vmem>>
        %dma_wait3A_251 = tpu.memref_squeeze %dma_wait3A_250 : memref<1x128x128xf32, #tpu.memory_space<vmem>> -> memref<128x128xf32, #tpu.memory_space<vmem>>
        %dma_wait3A_252 = arith.constant 64 : i32
        %dma_wait3A_253 = arith.constant 0 : i32
        %dma_wait3A_254 = tpu.memref_slice %dma_wait3A_251[%dma_wait3A_252, %dma_wait3A_253] : memref<128x128xf32, #tpu.memory_space<vmem>> -> memref<64x128xf32, #tpu.memory_space<vmem>>
        %dma_wait3A_255 = arith.constant 0 : i32
        %dma_wait3A_256 = tpu.memref_slice %arg5[%add3A_227, %dma_wait3A_255] : memref<40x128xi32, #tpu.memory_space<vmem>> -> memref<1x128xi32, #tpu.memory_space<vmem>>
        %dma_wait3A_257 = tpu.memref_squeeze %dma_wait3A_256 : memref<1x128xi32, #tpu.memory_space<vmem>> -> memref<128xi32, #tpu.memory_space<vmem>>
        %dma_wait3A_258 = arith.constant 64 : i32
        %dma_wait3A_259 = tpu.memref_slice %dma_wait3A_257[%dma_wait3A_258] : memref<128xi32, #tpu.memory_space<vmem>> -> memref<64xi32, #tpu.memory_space<vmem>>
        %dma_wait3A_260 = arith.constant 0 : i32
        %dma_wait3A_261 = arith.constant 0 : i32
        %dma_wait3A_262 = tpu.memref_slice %arg2[%dma_wait3A_260, %dma_wait3A_261] : memref<10000x128xf32, #tpu.memory_space<hbm>> -> memref<10000x128xf32, #tpu.memory_space<hbm>>
        %dma_wait3A_263 = tpu.memref_slice %arg9[%dma_wait3A_247] : memref<4x!tpu.dma_semaphore, #tpu.memory_space<semaphore_mem>> -> memref<1x!tpu.dma_semaphore, #tpu.memory_space<semaphore_mem>>
        %dma_wait3A_264 = tpu.memref_squeeze %dma_wait3A_263 : memref<1x!tpu.dma_semaphore, #tpu.memory_space<semaphore_mem>> -> memref<!tpu.dma_semaphore, #tpu.memory_space<semaphore_mem>>
        tpu.wait_indirect_dma semaphore(%dma_wait3A_264 : memref<!tpu.dma_semaphore, #tpu.memory_space<semaphore_mem>>) src(%dma_wait3A_262 : memref<10000x128xf32, #tpu.memory_space<hbm>>) dst(%dma_wait3A_254 : memref<64x128xf32, #tpu.memory_space<vmem>>)
        %run_scoped3A_265 = arith.constant 0 : i32
        "tpu.region"() ({
          %run_scoped3A_322 = tpu.sem_alloc : memref<!tpu.dma_semaphore, #tpu.memory_space<semaphore_mem>>
          %dma_start3A_323 = arith.constant 0 : i32
          %dma_start3A_324 = arith.constant 0 : i32
          %dma_start3A_325 = tpu.memref_slice %arg7[%run_scoped3A_265, %dma_start3A_323, %dma_start3A_324] : memref<2x128x128xf32, #tpu.memory_space<vmem>> -> memref<1x128x128xf32, #tpu.memory_space<vmem>>
          %dma_start3A_326 = tpu.memref_squeeze %dma_start3A_325 : memref<1x128x128xf32, #tpu.memory_space<vmem>> -> memref<128x128xf32, #tpu.memory_space<vmem>>
          %dma_start3A_327 = arith.constant 0 : i32
          %dma_start3A_328 = tpu.memref_slice %arg6[%add3A_227, %dma_start3A_327] : memref<40x128xi32, #tpu.memory_space<vmem>> -> memref<1x128xi32, #tpu.memory_space<vmem>>
          %dma_start3A_329 = tpu.memref_squeeze %dma_start3A_328 : memref<1x128xi32, #tpu.memory_space<vmem>> -> memref<128xi32, #tpu.memory_space<vmem>>
          %dma_start3A_330 = arith.constant 0 : i32
          %dma_start3A_331 = arith.constant 0 : i32
          %dma_start3A_332 = tpu.memref_slice %arg8[%dma_start3A_330, %dma_start3A_331] : memref<10240x128xf32, #tpu.memory_space<vmem_shared>> -> memref<10240x128xf32, #tpu.memory_space<vmem_shared>>
          tpu.enqueue_indirect_dma source(%dma_start3A_326 : memref<128x128xf32, #tpu.memory_space<vmem>>) target(%dma_start3A_332 : memref<10240x128xf32, #tpu.memory_space<vmem_shared>>) offsets(%dma_start3A_329 : memref<128xi32, #tpu.memory_space<vmem>>) semaphore(%run_scoped3A_322 : memref<!tpu.dma_semaphore, #tpu.memory_space<semaphore_mem>>) {add = true}
          %dma_wait3A_333 = arith.constant 0 : i32
          %dma_wait3A_334 = arith.constant 0 : i32
          %dma_wait3A_335 = tpu.memref_slice %arg7[%run_scoped3A_265, %dma_wait3A_333, %dma_wait3A_334] : memref<2x128x128xf32, #tpu.memory_space<vmem>> -> memref<1x128x128xf32, #tpu.memory_space<vmem>>
          %dma_wait3A_336 = tpu.memref_squeeze %dma_wait3A_335 : memref<1x128x128xf32, #tpu.memory_space<vmem>> -> memref<128x128xf32, #tpu.memory_space<vmem>>
          %dma_wait3A_337 = arith.constant 0 : i32
          %dma_wait3A_338 = tpu.memref_slice %arg6[%add3A_227, %dma_wait3A_337] : memref<40x128xi32, #tpu.memory_space<vmem>> -> memref<1x128xi32, #tpu.memory_space<vmem>>
          %dma_wait3A_339 = tpu.memref_squeeze %dma_wait3A_338 : memref<1x128xi32, #tpu.memory_space<vmem>> -> memref<128xi32, #tpu.memory_space<vmem>>
          %dma_wait3A_340 = arith.constant 0 : i32
          %dma_wait3A_341 = arith.constant 0 : i32
          %dma_wait3A_342 = tpu.memref_slice %arg8[%dma_wait3A_340, %dma_wait3A_341] : memref<10240x128xf32, #tpu.memory_space<vmem_shared>> -> memref<10240x128xf32, #tpu.memory_space<vmem_shared>>
          tpu.wait_indirect_dma semaphore(%run_scoped3A_322 : memref<!tpu.dma_semaphore, #tpu.memory_space<semaphore_mem>>) src(%dma_wait3A_336 : memref<128x128xf32, #tpu.memory_space<vmem>>) dst(%dma_wait3A_342 : memref<10240x128xf32, #tpu.memory_space<vmem_shared>>)
          tpu.yield
        }) : () -> ()
        %add3A_266 = arith.constant 2 : i32
        %add3A_267 = arith.addi %add3A_227, %add3A_266 : i32
        %lt3A = arith.constant 40 : i32
        %lt3A_268 = arith.cmpi slt, %add3A_267, %lt3A : i32
        %convert_element_type3A_269 = arith.extui %lt3A_268 : i1 to i32
        %cond3A_270 = arith.constant 0 : i32
        %cond3A_271 = arith.cmpi ne, %convert_element_type3A_269, %cond3A_270 : i32
        scf.if %cond3A_271 {
          %add3A_322 = arith.constant 2 : i32
          %add3A_323 = arith.addi %add3A_227, %add3A_322 : i32
          %dma_start3A_324 = arith.constant 0 : i32
          %dma_start3A_325 = arith.constant 0 : i32
          %dma_start3A_326 = arith.constant 0 : i32
          %dma_start3A_327 = arith.constant 0 : i32
          %dma_start3A_328 = tpu.memref_slice %arg7[%dma_start3A_324, %dma_start3A_326, %dma_start3A_327] : memref<2x128x128xf32, #tpu.memory_space<vmem>> -> memref<1x128x128xf32, #tpu.memory_space<vmem>>
          %dma_start3A_329 = tpu.memref_squeeze %dma_start3A_328 : memref<1x128x128xf32, #tpu.memory_space<vmem>> -> memref<128x128xf32, #tpu.memory_space<vmem>>
          %dma_start3A_330 = arith.constant 0 : i32
          %dma_start3A_331 = arith.constant 0 : i32
          %dma_start3A_332 = tpu.memref_slice %dma_start3A_329[%dma_start3A_330, %dma_start3A_331] : memref<128x128xf32, #tpu.memory_space<vmem>> -> memref<64x128xf32, #tpu.memory_space<vmem>>
          %dma_start3A_333 = arith.constant 0 : i32
          %dma_start3A_334 = tpu.memref_slice %arg5[%add3A_323, %dma_start3A_333] : memref<40x128xi32, #tpu.memory_space<vmem>> -> memref<1x128xi32, #tpu.memory_space<vmem>>
          %dma_start3A_335 = tpu.memref_squeeze %dma_start3A_334 : memref<1x128xi32, #tpu.memory_space<vmem>> -> memref<128xi32, #tpu.memory_space<vmem>>
          %dma_start3A_336 = arith.constant 0 : i32
          %dma_start3A_337 = tpu.memref_slice %dma_start3A_335[%dma_start3A_336] : memref<128xi32, #tpu.memory_space<vmem>> -> memref<64xi32, #tpu.memory_space<vmem>>
          %dma_start3A_338 = arith.constant 0 : i32
          %dma_start3A_339 = arith.constant 0 : i32
          %dma_start3A_340 = tpu.memref_slice %arg2[%dma_start3A_338, %dma_start3A_339] : memref<10000x128xf32, #tpu.memory_space<hbm>> -> memref<10000x128xf32, #tpu.memory_space<hbm>>
          %dma_start3A_341 = tpu.memref_slice %arg9[%dma_start3A_325] : memref<4x!tpu.dma_semaphore, #tpu.memory_space<semaphore_mem>> -> memref<1x!tpu.dma_semaphore, #tpu.memory_space<semaphore_mem>>
          %dma_start3A_342 = tpu.memref_squeeze %dma_start3A_341 : memref<1x!tpu.dma_semaphore, #tpu.memory_space<semaphore_mem>> -> memref<!tpu.dma_semaphore, #tpu.memory_space<semaphore_mem>>
          tpu.enqueue_indirect_dma source(%dma_start3A_340 : memref<10000x128xf32, #tpu.memory_space<hbm>>) target(%dma_start3A_332 : memref<64x128xf32, #tpu.memory_space<vmem>>) offsets(%dma_start3A_337 : memref<64xi32, #tpu.memory_space<vmem>>) semaphore(%dma_start3A_342 : memref<!tpu.dma_semaphore, #tpu.memory_space<semaphore_mem>>)
          %dma_start3A_343 = arith.constant 0 : i32
          %dma_start3A_344 = arith.constant 1 : i32
          %dma_start3A_345 = arith.constant 0 : i32
          %dma_start3A_346 = arith.constant 0 : i32
          %dma_start3A_347 = tpu.memref_slice %arg7[%dma_start3A_343, %dma_start3A_345, %dma_start3A_346] : memref<2x128x128xf32, #tpu.memory_space<vmem>> -> memref<1x128x128xf32, #tpu.memory_space<vmem>>
          %dma_start3A_348 = tpu.memref_squeeze %dma_start3A_347 : memref<1x128x128xf32, #tpu.memory_space<vmem>> -> memref<128x128xf32, #tpu.memory_space<vmem>>
          %dma_start3A_349 = arith.constant 64 : i32
          %dma_start3A_350 = arith.constant 0 : i32
          %dma_start3A_351 = tpu.memref_slice %dma_start3A_348[%dma_start3A_349, %dma_start3A_350] : memref<128x128xf32, #tpu.memory_space<vmem>> -> memref<64x128xf32, #tpu.memory_space<vmem>>
          %dma_start3A_352 = arith.constant 0 : i32
          %dma_start3A_353 = tpu.memref_slice %arg5[%add3A_323, %dma_start3A_352] : memref<40x128xi32, #tpu.memory_space<vmem>> -> memref<1x128xi32, #tpu.memory_space<vmem>>
          %dma_start3A_354 = tpu.memref_squeeze %dma_start3A_353 : memref<1x128xi32, #tpu.memory_space<vmem>> -> memref<128xi32, #tpu.memory_space<vmem>>
          %dma_start3A_355 = arith.constant 64 : i32
          %dma_start3A_356 = tpu.memref_slice %dma_start3A_354[%dma_start3A_355] : memref<128xi32, #tpu.memory_space<vmem>> -> memref<64xi32, #tpu.memory_space<vmem>>
          %dma_start3A_357 = arith.constant 0 : i32
          %dma_start3A_358 = arith.constant 0 : i32
          %dma_start3A_359 = tpu.memref_slice %arg2[%dma_start3A_357, %dma_start3A_358] : memref<10000x128xf32, #tpu.memory_space<hbm>> -> memref<10000x128xf32, #tpu.memory_space<hbm>>
          %dma_start3A_360 = tpu.memref_slice %arg9[%dma_start3A_344] : memref<4x!tpu.dma_semaphore, #tpu.memory_space<semaphore_mem>> -> memref<1x!tpu.dma_semaphore, #tpu.memory_space<semaphore_mem>>
          %dma_start3A_361 = tpu.memref_squeeze %dma_start3A_360 : memref<1x!tpu.dma_semaphore, #tpu.memory_space<semaphore_mem>> -> memref<!tpu.dma_semaphore, #tpu.memory_space<semaphore_mem>>
          tpu.enqueue_indirect_dma source(%dma_start3A_359 : memref<10000x128xf32, #tpu.memory_space<hbm>>) target(%dma_start3A_351 : memref<64x128xf32, #tpu.memory_space<vmem>>) offsets(%dma_start3A_356 : memref<64xi32, #tpu.memory_space<vmem>>) semaphore(%dma_start3A_361 : memref<!tpu.dma_semaphore, #tpu.memory_space<semaphore_mem>>)
        } else {
        }
        %mul3A_272 = arith.constant 2 : i32
        %mul3A_273 = arith.muli %scan3A_223, %mul3A_272 : i32
        %add3A_274 = arith.constant 1 : i32
        %add3A_275 = arith.addi %mul3A_273, %add3A_274 : i32
        %dma_wait3A_276 = arith.constant 1 : i32
        %dma_wait3A_277 = arith.constant 2 : i32
        %dma_wait3A_278 = arith.constant 0 : i32
        %dma_wait3A_279 = arith.constant 0 : i32
        %dma_wait3A_280 = tpu.memref_slice %arg7[%dma_wait3A_276, %dma_wait3A_278, %dma_wait3A_279] : memref<2x128x128xf32, #tpu.memory_space<vmem>> -> memref<1x128x128xf32, #tpu.memory_space<vmem>>
        %dma_wait3A_281 = tpu.memref_squeeze %dma_wait3A_280 : memref<1x128x128xf32, #tpu.memory_space<vmem>> -> memref<128x128xf32, #tpu.memory_space<vmem>>
        %dma_wait3A_282 = arith.constant 0 : i32
        %dma_wait3A_283 = arith.constant 0 : i32
        %dma_wait3A_284 = tpu.memref_slice %dma_wait3A_281[%dma_wait3A_282, %dma_wait3A_283] : memref<128x128xf32, #tpu.memory_space<vmem>> -> memref<64x128xf32, #tpu.memory_space<vmem>>
        %dma_wait3A_285 = arith.constant 0 : i32
        %dma_wait3A_286 = tpu.memref_slice %arg5[%add3A_275, %dma_wait3A_285] : memref<40x128xi32, #tpu.memory_space<vmem>> -> memref<1x128xi32, #tpu.memory_space<vmem>>
        %dma_wait3A_287 = tpu.memref_squeeze %dma_wait3A_286 : memref<1x128xi32, #tpu.memory_space<vmem>> -> memref<128xi32, #tpu.memory_space<vmem>>
        %dma_wait3A_288 = arith.constant 0 : i32
        %dma_wait3A_289 = tpu.memref_slice %dma_wait3A_287[%dma_wait3A_288] : memref<128xi32, #tpu.memory_space<vmem>> -> memref<64xi32, #tpu.memory_space<vmem>>
        %dma_wait3A_290 = arith.constant 0 : i32
        %dma_wait3A_291 = arith.constant 0 : i32
        %dma_wait3A_292 = tpu.memref_slice %arg2[%dma_wait3A_290, %dma_wait3A_291] : memref<10000x128xf32, #tpu.memory_space<hbm>> -> memref<10000x128xf32, #tpu.memory_space<hbm>>
        %dma_wait3A_293 = tpu.memref_slice %arg9[%dma_wait3A_277] : memref<4x!tpu.dma_semaphore, #tpu.memory_space<semaphore_mem>> -> memref<1x!tpu.dma_semaphore, #tpu.memory_space<semaphore_mem>>
        %dma_wait3A_294 = tpu.memref_squeeze %dma_wait3A_293 : memref<1x!tpu.dma_semaphore, #tpu.memory_space<semaphore_mem>> -> memref<!tpu.dma_semaphore, #tpu.memory_space<semaphore_mem>>
        tpu.wait_indirect_dma semaphore(%dma_wait3A_294 : memref<!tpu.dma_semaphore, #tpu.memory_space<semaphore_mem>>) src(%dma_wait3A_292 : memref<10000x128xf32, #tpu.memory_space<hbm>>) dst(%dma_wait3A_284 : memref<64x128xf32, #tpu.memory_space<vmem>>)
        %dma_wait3A_295 = arith.constant 1 : i32
        %dma_wait3A_296 = arith.constant 3 : i32
        %dma_wait3A_297 = arith.constant 0 : i32
        %dma_wait3A_298 = arith.constant 0 : i32
        %dma_wait3A_299 = tpu.memref_slice %arg7[%dma_wait3A_295, %dma_wait3A_297, %dma_wait3A_298] : memref<2x128x128xf32, #tpu.memory_space<vmem>> -> memref<1x128x128xf32, #tpu.memory_space<vmem>>
        %dma_wait3A_300 = tpu.memref_squeeze %dma_wait3A_299 : memref<1x128x128xf32, #tpu.memory_space<vmem>> -> memref<128x128xf32, #tpu.memory_space<vmem>>
        %dma_wait3A_301 = arith.constant 64 : i32
        %dma_wait3A_302 = arith.constant 0 : i32
        %dma_wait3A_303 = tpu.memref_slice %dma_wait3A_300[%dma_wait3A_301, %dma_wait3A_302] : memref<128x128xf32, #tpu.memory_space<vmem>> -> memref<64x128xf32, #tpu.memory_space<vmem>>
        %dma_wait3A_304 = arith.constant 0 : i32
        %dma_wait3A_305 = tpu.memref_slice %arg5[%add3A_275, %dma_wait3A_304] : memref<40x128xi32, #tpu.memory_space<vmem>> -> memref<1x128xi32, #tpu.memory_space<vmem>>
        %dma_wait3A_306 = tpu.memref_squeeze %dma_wait3A_305 : memref<1x128xi32, #tpu.memory_space<vmem>> -> memref<128xi32, #tpu.memory_space<vmem>>
        %dma_wait3A_307 = arith.constant 64 : i32
        %dma_wait3A_308 = tpu.memref_slice %dma_wait3A_306[%dma_wait3A_307] : memref<128xi32, #tpu.memory_space<vmem>> -> memref<64xi32, #tpu.memory_space<vmem>>
        %dma_wait3A_309 = arith.constant 0 : i32
        %dma_wait3A_310 = arith.constant 0 : i32
        %dma_wait3A_311 = tpu.memref_slice %arg2[%dma_wait3A_309, %dma_wait3A_310] : memref<10000x128xf32, #tpu.memory_space<hbm>> -> memref<10000x128xf32, #tpu.memory_space<hbm>>
        %dma_wait3A_312 = tpu.memref_slice %arg9[%dma_wait3A_296] : memref<4x!tpu.dma_semaphore, #tpu.memory_space<semaphore_mem>> -> memref<1x!tpu.dma_semaphore, #tpu.memory_space<semaphore_mem>>
        %dma_wait3A_313 = tpu.memref_squeeze %dma_wait3A_312 : memref<1x!tpu.dma_semaphore, #tpu.memory_space<semaphore_mem>> -> memref<!tpu.dma_semaphore, #tpu.memory_space<semaphore_mem>>
        tpu.wait_indirect_dma semaphore(%dma_wait3A_313 : memref<!tpu.dma_semaphore, #tpu.memory_space<semaphore_mem>>) src(%dma_wait3A_311 : memref<10000x128xf32, #tpu.memory_space<hbm>>) dst(%dma_wait3A_303 : memref<64x128xf32, #tpu.memory_space<vmem>>)
        %run_scoped3A_314 = arith.constant 1 : i32
        "tpu.region"() ({
          %run_scoped3A_322 = tpu.sem_alloc : memref<!tpu.dma_semaphore, #tpu.memory_space<semaphore_mem>>
          %dma_start3A_323 = arith.constant 0 : i32
          %dma_start3A_324 = arith.constant 0 : i32
          %dma_start3A_325 = tpu.memref_slice %arg7[%run_scoped3A_314, %dma_start3A_323, %dma_start3A_324] : memref<2x128x128xf32, #tpu.memory_space<vmem>> -> memref<1x128x128xf32, #tpu.memory_space<vmem>>
          %dma_start3A_326 = tpu.memref_squeeze %dma_start3A_325 : memref<1x128x128xf32, #tpu.memory_space<vmem>> -> memref<128x128xf32, #tpu.memory_space<vmem>>
          %dma_start3A_327 = arith.constant 0 : i32
          %dma_start3A_328 = tpu.memref_slice %arg6[%add3A_275, %dma_start3A_327] : memref<40x128xi32, #tpu.memory_space<vmem>> -> memref<1x128xi32, #tpu.memory_space<vmem>>
          %dma_start3A_329 = tpu.memref_squeeze %dma_start3A_328 : memref<1x128xi32, #tpu.memory_space<vmem>> -> memref<128xi32, #tpu.memory_space<vmem>>
          %dma_start3A_330 = arith.constant 0 : i32
          %dma_start3A_331 = arith.constant 0 : i32
          %dma_start3A_332 = tpu.memref_slice %arg8[%dma_start3A_330, %dma_start3A_331] : memref<10240x128xf32, #tpu.memory_space<vmem_shared>> -> memref<10240x128xf32, #tpu.memory_space<vmem_shared>>
          tpu.enqueue_indirect_dma source(%dma_start3A_326 : memref<128x128xf32, #tpu.memory_space<vmem>>) target(%dma_start3A_332 : memref<10240x128xf32, #tpu.memory_space<vmem_shared>>) offsets(%dma_start3A_329 : memref<128xi32, #tpu.memory_space<vmem>>) semaphore(%run_scoped3A_322 : memref<!tpu.dma_semaphore, #tpu.memory_space<semaphore_mem>>) {add = true}
          %dma_wait3A_333 = arith.constant 0 : i32
          %dma_wait3A_334 = arith.constant 0 : i32
          %dma_wait3A_335 = tpu.memref_slice %arg7[%run_scoped3A_314, %dma_wait3A_333, %dma_wait3A_334] : memref<2x128x128xf32, #tpu.memory_space<vmem>> -> memref<1x128x128xf32, #tpu.memory_space<vmem>>
          %dma_wait3A_336 = tpu.memref_squeeze %dma_wait3A_335 : memref<1x128x128xf32, #tpu.memory_space<vmem>> -> memref<128x128xf32, #tpu.memory_space<vmem>>
          %dma_wait3A_337 = arith.constant 0 : i32
          %dma_wait3A_338 = tpu.memref_slice %arg6[%add3A_275, %dma_wait3A_337] : memref<40x128xi32, #tpu.memory_space<vmem>> -> memref<1x128xi32, #tpu.memory_space<vmem>>
          %dma_wait3A_339 = tpu.memref_squeeze %dma_wait3A_338 : memref<1x128xi32, #tpu.memory_space<vmem>> -> memref<128xi32, #tpu.memory_space<vmem>>
          %dma_wait3A_340 = arith.constant 0 : i32
          %dma_wait3A_341 = arith.constant 0 : i32
          %dma_wait3A_342 = tpu.memref_slice %arg8[%dma_wait3A_340, %dma_wait3A_341] : memref<10240x128xf32, #tpu.memory_space<vmem_shared>> -> memref<10240x128xf32, #tpu.memory_space<vmem_shared>>
          tpu.wait_indirect_dma semaphore(%run_scoped3A_322 : memref<!tpu.dma_semaphore, #tpu.memory_space<semaphore_mem>>) src(%dma_wait3A_336 : memref<128x128xf32, #tpu.memory_space<vmem>>) dst(%dma_wait3A_342 : memref<10240x128xf32, #tpu.memory_space<vmem_shared>>)
          tpu.yield
        }) : () -> ()
        %add3A_315 = arith.constant 2 : i32
        %add3A_316 = arith.addi %add3A_275, %add3A_315 : i32
        %lt3A_317 = arith.constant 40 : i32
        %lt3A_318 = arith.cmpi slt, %add3A_316, %lt3A_317 : i32
        %convert_element_type3A_319 = arith.extui %lt3A_318 : i1 to i32
        %cond3A_320 = arith.constant 0 : i32
        %cond3A_321 = arith.cmpi ne, %convert_element_type3A_319, %cond3A_320 : i32
        scf.if %cond3A_321 {
          %add3A_322 = arith.constant 2 : i32
          %add3A_323 = arith.addi %add3A_275, %add3A_322 : i32
          %dma_start3A_324 = arith.constant 1 : i32
          %dma_start3A_325 = arith.constant 2 : i32
          %dma_start3A_326 = arith.constant 0 : i32
          %dma_start3A_327 = arith.constant 0 : i32
          %dma_start3A_328 = tpu.memref_slice %arg7[%dma_start3A_324, %dma_start3A_326, %dma_start3A_327] : memref<2x128x128xf32, #tpu.memory_space<vmem>> -> memref<1x128x128xf32, #tpu.memory_space<vmem>>
          %dma_start3A_329 = tpu.memref_squeeze %dma_start3A_328 : memref<1x128x128xf32, #tpu.memory_space<vmem>> -> memref<128x128xf32, #tpu.memory_space<vmem>>
          %dma_start3A_330 = arith.constant 0 : i32
          %dma_start3A_331 = arith.constant 0 : i32
          %dma_start3A_332 = tpu.memref_slice %dma_start3A_329[%dma_start3A_330, %dma_start3A_331] : memref<128x128xf32, #tpu.memory_space<vmem>> -> memref<64x128xf32, #tpu.memory_space<vmem>>
          %dma_start3A_333 = arith.constant 0 : i32
          %dma_start3A_334 = tpu.memref_slice %arg5[%add3A_323, %dma_start3A_333] : memref<40x128xi32, #tpu.memory_space<vmem>> -> memref<1x128xi32, #tpu.memory_space<vmem>>
          %dma_start3A_335 = tpu.memref_squeeze %dma_start3A_334 : memref<1x128xi32, #tpu.memory_space<vmem>> -> memref<128xi32, #tpu.memory_space<vmem>>
          %dma_start3A_336 = arith.constant 0 : i32
          %dma_start3A_337 = tpu.memref_slice %dma_start3A_335[%dma_start3A_336] : memref<128xi32, #tpu.memory_space<vmem>> -> memref<64xi32, #tpu.memory_space<vmem>>
          %dma_start3A_338 = arith.constant 0 : i32
          %dma_start3A_339 = arith.constant 0 : i32
          %dma_start3A_340 = tpu.memref_slice %arg2[%dma_start3A_338, %dma_start3A_339] : memref<10000x128xf32, #tpu.memory_space<hbm>> -> memref<10000x128xf32, #tpu.memory_space<hbm>>
          %dma_start3A_341 = tpu.memref_slice %arg9[%dma_start3A_325] : memref<4x!tpu.dma_semaphore, #tpu.memory_space<semaphore_mem>> -> memref<1x!tpu.dma_semaphore, #tpu.memory_space<semaphore_mem>>
          %dma_start3A_342 = tpu.memref_squeeze %dma_start3A_341 : memref<1x!tpu.dma_semaphore, #tpu.memory_space<semaphore_mem>> -> memref<!tpu.dma_semaphore, #tpu.memory_space<semaphore_mem>>
          tpu.enqueue_indirect_dma source(%dma_start3A_340 : memref<10000x128xf32, #tpu.memory_space<hbm>>) target(%dma_start3A_332 : memref<64x128xf32, #tpu.memory_space<vmem>>) offsets(%dma_start3A_337 : memref<64xi32, #tpu.memory_space<vmem>>) semaphore(%dma_start3A_342 : memref<!tpu.dma_semaphore, #tpu.memory_space<semaphore_mem>>)
          %dma_start3A_343 = arith.constant 1 : i32
          %dma_start3A_344 = arith.constant 3 : i32
          %dma_start3A_345 = arith.constant 0 : i32
          %dma_start3A_346 = arith.constant 0 : i32
          %dma_start3A_347 = tpu.memref_slice %arg7[%dma_start3A_343, %dma_start3A_345, %dma_start3A_346] : memref<2x128x128xf32, #tpu.memory_space<vmem>> -> memref<1x128x128xf32, #tpu.memory_space<vmem>>
          %dma_start3A_348 = tpu.memref_squeeze %dma_start3A_347 : memref<1x128x128xf32, #tpu.memory_space<vmem>> -> memref<128x128xf32, #tpu.memory_space<vmem>>
          %dma_start3A_349 = arith.constant 64 : i32
          %dma_start3A_350 = arith.constant 0 : i32
          %dma_start3A_351 = tpu.memref_slice %dma_start3A_348[%dma_start3A_349, %dma_start3A_350] : memref<128x128xf32, #tpu.memory_space<vmem>> -> memref<64x128xf32, #tpu.memory_space<vmem>>
          %dma_start3A_352 = arith.constant 0 : i32
          %dma_start3A_353 = tpu.memref_slice %arg5[%add3A_323, %dma_start3A_352] : memref<40x128xi32, #tpu.memory_space<vmem>> -> memref<1x128xi32, #tpu.memory_space<vmem>>
          %dma_start3A_354 = tpu.memref_squeeze %dma_start3A_353 : memref<1x128xi32, #tpu.memory_space<vmem>> -> memref<128xi32, #tpu.memory_space<vmem>>
          %dma_start3A_355 = arith.constant 64 : i32
          %dma_start3A_356 = tpu.memref_slice %dma_start3A_354[%dma_start3A_355] : memref<128xi32, #tpu.memory_space<vmem>> -> memref<64xi32, #tpu.memory_space<vmem>>
          %dma_start3A_357 = arith.constant 0 : i32
          %dma_start3A_358 = arith.constant 0 : i32
          %dma_start3A_359 = tpu.memref_slice %arg2[%dma_start3A_357, %dma_start3A_358] : memref<10000x128xf32, #tpu.memory_space<hbm>> -> memref<10000x128xf32, #tpu.memory_space<hbm>>
          %dma_start3A_360 = tpu.memref_slice %arg9[%dma_start3A_344] : memref<4x!tpu.dma_semaphore, #tpu.memory_space<semaphore_mem>> -> memref<1x!tpu.dma_semaphore, #tpu.memory_space<semaphore_mem>>
          %dma_start3A_361 = tpu.memref_squeeze %dma_start3A_360 : memref<1x!tpu.dma_semaphore, #tpu.memory_space<semaphore_mem>> -> memref<!tpu.dma_semaphore, #tpu.memory_space<semaphore_mem>>
          tpu.enqueue_indirect_dma source(%dma_start3A_359 : memref<10000x128xf32, #tpu.memory_space<hbm>>) target(%dma_start3A_351 : memref<64x128xf32, #tpu.memory_space<vmem>>) offsets(%dma_start3A_356 : memref<64xi32, #tpu.memory_space<vmem>>) semaphore(%dma_start3A_361 : memref<!tpu.dma_semaphore, #tpu.memory_space<semaphore_mem>>)
        } else {
        }
      }
      %scan3A_222 = arith.constant 20 : i32
    } else {
    }
    %convert_element_type3A_38 = arith.extui %eq3A_1 : i1 to i32
    %cond3A_39 = arith.constant 0 : i32
    %cond3A_40 = arith.constant 1 : i32
    %cond3A_41 = arith.constant 0 : i32
    %cond3A_42 = arith.cmpi ne, %convert_element_type3A_38, %cond3A_41 : i32
    scf.if %cond3A_42 {
      "tpu.region"() ({
        %run_scoped3A_133 = tpu.sem_alloc : memref<!tpu.dma_semaphore, #tpu.memory_space<semaphore_mem>>
        %dma_start3A_134 = arith.constant 0 : i32
        %dma_start3A_135 = arith.constant 0 : i32
        %dma_start3A_136 = tpu.memref_slice %arg5[%dma_start3A_134, %dma_start3A_135] : memref<40x128xi32, #tpu.memory_space<vmem>> -> memref<20x128xi32, #tpu.memory_space<vmem>>
        %dma_start3A_137 = arith.constant 0 : i32
        %dma_start3A_138 = arith.constant 0 : i32
        %dma_start3A_139 = tpu.memref_slice %arg3[%cond3A_39, %dma_start3A_137, %dma_start3A_138] : memref<2x2500x128xi32, #tpu.memory_space<hbm>> -> memref<1x2500x128xi32, #tpu.memory_space<hbm>>
        %dma_start3A_140 = tpu.memref_squeeze %dma_start3A_139 : memref<1x2500x128xi32, #tpu.memory_space<hbm>> -> memref<2500x128xi32, #tpu.memory_space<hbm>>
        %dma_start3A_141 = arith.constant 0 : i32
        %dma_start3A_142 = tpu.memref_slice %dma_start3A_140[%multiple_of3A, %dma_start3A_141] : memref<2500x128xi32, #tpu.memory_space<hbm>> -> memref<20x128xi32, #tpu.memory_space<hbm>>
        %dma_start3A_143 = arith.constant 0 : i32
        %dma_start3A_144 = arith.constant 0 : i32
        %dma_start3A_145 = tpu.memref_slice %arg5[%dma_start3A_143, %dma_start3A_144] : memref<40x128xi32, #tpu.memory_space<vmem>> -> memref<20x128xi32, #tpu.memory_space<vmem>>
        %dma_start3A_146 = arith.constant 0 : i32
        %dma_start3A_147 = arith.constant 0 : i32
        %dma_start3A_148 = tpu.memref_slice %arg3[%cond3A_39, %dma_start3A_146, %dma_start3A_147] : memref<2x2500x128xi32, #tpu.memory_space<hbm>> -> memref<1x2500x128xi32, #tpu.memory_space<hbm>>
        %dma_start3A_149 = tpu.memref_squeeze %dma_start3A_148 : memref<1x2500x128xi32, #tpu.memory_space<hbm>> -> memref<2500x128xi32, #tpu.memory_space<hbm>>
        %dma_start3A_150 = arith.constant 0 : i32
        %dma_start3A_151 = tpu.memref_slice %dma_start3A_149[%multiple_of3A, %dma_start3A_150] : memref<2500x128xi32, #tpu.memory_space<hbm>> -> memref<20x128xi32, #tpu.memory_space<hbm>>
        tpu.enqueue_dma source(%dma_start3A_151 : memref<20x128xi32, #tpu.memory_space<hbm>>) target(%dma_start3A_145 : memref<20x128xi32, #tpu.memory_space<vmem>>) target_semaphore(%run_scoped3A_133 : memref<!tpu.dma_semaphore, #tpu.memory_space<semaphore_mem>>)
        %dma_wait3A = arith.constant 0 : i32
        %dma_wait3A_152 = arith.constant 0 : i32
        %dma_wait3A_153 = tpu.memref_slice %arg5[%dma_wait3A, %dma_wait3A_152] : memref<40x128xi32, #tpu.memory_space<vmem>> -> memref<20x128xi32, #tpu.memory_space<vmem>>
        %dma_wait3A_154 = arith.constant 0 : i32
        %dma_wait3A_155 = arith.constant 0 : i32
        %dma_wait3A_156 = tpu.memref_slice %arg3[%cond3A_39, %dma_wait3A_154, %dma_wait3A_155] : memref<2x2500x128xi32, #tpu.memory_space<hbm>> -> memref<1x2500x128xi32, #tpu.memory_space<hbm>>
        %dma_wait3A_157 = tpu.memref_squeeze %dma_wait3A_156 : memref<1x2500x128xi32, #tpu.memory_space<hbm>> -> memref<2500x128xi32, #tpu.memory_space<hbm>>
        %dma_wait3A_158 = arith.constant 0 : i32
        %dma_wait3A_159 = tpu.memref_slice %dma_wait3A_157[%multiple_of3A, %dma_wait3A_158] : memref<2500x128xi32, #tpu.memory_space<hbm>> -> memref<20x128xi32, #tpu.memory_space<hbm>>
        %dma_wait3A_160 = arith.constant 0 : i32
        %dma_wait3A_161 = arith.constant 0 : i32
        %dma_wait3A_162 = tpu.memref_slice %arg5[%dma_wait3A_160, %dma_wait3A_161] : memref<40x128xi32, #tpu.memory_space<vmem>> -> memref<20x128xi32, #tpu.memory_space<vmem>>
        %dma_wait3A_163 = arith.constant 0 : i32
        %dma_wait3A_164 = arith.constant 0 : i32
        %dma_wait3A_165 = tpu.memref_slice %arg3[%cond3A_39, %dma_wait3A_163, %dma_wait3A_164] : memref<2x2500x128xi32, #tpu.memory_space<hbm>> -> memref<1x2500x128xi32, #tpu.memory_space<hbm>>
        %dma_wait3A_166 = tpu.memref_squeeze %dma_wait3A_165 : memref<1x2500x128xi32, #tpu.memory_space<hbm>> -> memref<2500x128xi32, #tpu.memory_space<hbm>>
        %dma_wait3A_167 = arith.constant 0 : i32
        %dma_wait3A_168 = tpu.memref_slice %dma_wait3A_166[%multiple_of3A, %dma_wait3A_167] : memref<2500x128xi32, #tpu.memory_space<hbm>> -> memref<20x128xi32, #tpu.memory_space<hbm>>
        tpu.wait_dma2 semaphore(%run_scoped3A_133 : memref<!tpu.dma_semaphore, #tpu.memory_space<semaphore_mem>>) src(%dma_wait3A_168 : memref<20x128xi32, #tpu.memory_space<hbm>>) dst(%dma_wait3A_162 : memref<20x128xi32, #tpu.memory_space<vmem>>)
        tpu.yield
      }) : () -> ()
      "tpu.region"() ({
        %run_scoped3A_133 = tpu.sem_alloc : memref<!tpu.dma_semaphore, #tpu.memory_space<semaphore_mem>>
        %dma_start3A_134 = arith.constant 0 : i32
        %dma_start3A_135 = arith.constant 0 : i32
        %dma_start3A_136 = tpu.memref_slice %arg6[%dma_start3A_134, %dma_start3A_135] : memref<40x128xi32, #tpu.memory_space<vmem>> -> memref<20x128xi32, #tpu.memory_space<vmem>>
        %dma_start3A_137 = arith.constant 0 : i32
        %dma_start3A_138 = arith.constant 0 : i32
        %dma_start3A_139 = tpu.memref_slice %arg3[%cond3A_40, %dma_start3A_137, %dma_start3A_138] : memref<2x2500x128xi32, #tpu.memory_space<hbm>> -> memref<1x2500x128xi32, #tpu.memory_space<hbm>>
        %dma_start3A_140 = tpu.memref_squeeze %dma_start3A_139 : memref<1x2500x128xi32, #tpu.memory_space<hbm>> -> memref<2500x128xi32, #tpu.memory_space<hbm>>
        %dma_start3A_141 = arith.constant 0 : i32
        %dma_start3A_142 = tpu.memref_slice %dma_start3A_140[%multiple_of3A, %dma_start3A_141] : memref<2500x128xi32, #tpu.memory_space<hbm>> -> memref<20x128xi32, #tpu.memory_space<hbm>>
        %dma_start3A_143 = arith.constant 0 : i32
        %dma_start3A_144 = arith.constant 0 : i32
        %dma_start3A_145 = tpu.memref_slice %arg6[%dma_start3A_143, %dma_start3A_144] : memref<40x128xi32, #tpu.memory_space<vmem>> -> memref<20x128xi32, #tpu.memory_space<vmem>>
        %dma_start3A_146 = arith.constant 0 : i32
        %dma_start3A_147 = arith.constant 0 : i32
        %dma_start3A_148 = tpu.memref_slice %arg3[%cond3A_40, %dma_start3A_146, %dma_start3A_147] : memref<2x2500x128xi32, #tpu.memory_space<hbm>> -> memref<1x2500x128xi32, #tpu.memory_space<hbm>>
        %dma_start3A_149 = tpu.memref_squeeze %dma_start3A_148 : memref<1x2500x128xi32, #tpu.memory_space<hbm>> -> memref<2500x128xi32, #tpu.memory_space<hbm>>
        %dma_start3A_150 = arith.constant 0 : i32
        %dma_start3A_151 = tpu.memref_slice %dma_start3A_149[%multiple_of3A, %dma_start3A_150] : memref<2500x128xi32, #tpu.memory_space<hbm>> -> memref<20x128xi32, #tpu.memory_space<hbm>>
        tpu.enqueue_dma source(%dma_start3A_151 : memref<20x128xi32, #tpu.memory_space<hbm>>) target(%dma_start3A_145 : memref<20x128xi32, #tpu.memory_space<vmem>>) target_semaphore(%run_scoped3A_133 : memref<!tpu.dma_semaphore, #tpu.memory_space<semaphore_mem>>)
        %dma_wait3A = arith.constant 0 : i32
        %dma_wait3A_152 = arith.constant 0 : i32
        %dma_wait3A_153 = tpu.memref_slice %arg6[%dma_wait3A, %dma_wait3A_152] : memref<40x128xi32, #tpu.memory_space<vmem>> -> memref<20x128xi32, #tpu.memory_space<vmem>>
        %dma_wait3A_154 = arith.constant 0 : i32
        %dma_wait3A_155 = arith.constant 0 : i32
        %dma_wait3A_156 = tpu.memref_slice %arg3[%cond3A_40, %dma_wait3A_154, %dma_wait3A_155] : memref<2x2500x128xi32, #tpu.memory_space<hbm>> -> memref<1x2500x128xi32, #tpu.memory_space<hbm>>
        %dma_wait3A_157 = tpu.memref_squeeze %dma_wait3A_156 : memref<1x2500x128xi32, #tpu.memory_space<hbm>> -> memref<2500x128xi32, #tpu.memory_space<hbm>>
        %dma_wait3A_158 = arith.constant 0 : i32
        %dma_wait3A_159 = tpu.memref_slice %dma_wait3A_157[%multiple_of3A, %dma_wait3A_158] : memref<2500x128xi32, #tpu.memory_space<hbm>> -> memref<20x128xi32, #tpu.memory_space<hbm>>
        %dma_wait3A_160 = arith.constant 0 : i32
        %dma_wait3A_161 = arith.constant 0 : i32
        %dma_wait3A_162 = tpu.memref_slice %arg6[%dma_wait3A_160, %dma_wait3A_161] : memref<40x128xi32, #tpu.memory_space<vmem>> -> memref<20x128xi32, #tpu.memory_space<vmem>>
        %dma_wait3A_163 = arith.constant 0 : i32
        %dma_wait3A_164 = arith.constant 0 : i32
        %dma_wait3A_165 = tpu.memref_slice %arg3[%cond3A_40, %dma_wait3A_163, %dma_wait3A_164] : memref<2x2500x128xi32, #tpu.memory_space<hbm>> -> memref<1x2500x128xi32, #tpu.memory_space<hbm>>
        %dma_wait3A_166 = tpu.memref_squeeze %dma_wait3A_165 : memref<1x2500x128xi32, #tpu.memory_space<hbm>> -> memref<2500x128xi32, #tpu.memory_space<hbm>>
        %dma_wait3A_167 = arith.constant 0 : i32
        %dma_wait3A_168 = tpu.memref_slice %dma_wait3A_166[%multiple_of3A, %dma_wait3A_167] : memref<2500x128xi32, #tpu.memory_space<hbm>> -> memref<20x128xi32, #tpu.memory_space<hbm>>
        tpu.wait_dma2 semaphore(%run_scoped3A_133 : memref<!tpu.dma_semaphore, #tpu.memory_space<semaphore_mem>>) src(%dma_wait3A_168 : memref<20x128xi32, #tpu.memory_space<hbm>>) dst(%dma_wait3A_162 : memref<20x128xi32, #tpu.memory_space<vmem>>)
        tpu.yield
      }) : () -> ()
      %dma_start3A = arith.constant 0 : i32
      %dma_start3A_48 = arith.constant 0 : i32
      %dma_start3A_49 = arith.constant 0 : i32
      %dma_start3A_50 = arith.constant 0 : i32
      %dma_start3A_51 = arith.constant 0 : i32
      %dma_start3A_52 = tpu.memref_slice %arg7[%dma_start3A_48, %dma_start3A_50, %dma_start3A_51] : memref<2x128x128xf32, #tpu.memory_space<vmem>> -> memref<1x128x128xf32, #tpu.memory_space<vmem>>
      %dma_start3A_53 = tpu.memref_squeeze %dma_start3A_52 : memref<1x128x128xf32, #tpu.memory_space<vmem>> -> memref<128x128xf32, #tpu.memory_space<vmem>>
      %dma_start3A_54 = arith.constant 0 : i32
      %dma_start3A_55 = arith.constant 0 : i32
      %dma_start3A_56 = tpu.memref_slice %dma_start3A_53[%dma_start3A_54, %dma_start3A_55] : memref<128x128xf32, #tpu.memory_space<vmem>> -> memref<64x128xf32, #tpu.memory_space<vmem>>
      %dma_start3A_57 = arith.constant 0 : i32
      %dma_start3A_58 = tpu.memref_slice %arg5[%dma_start3A, %dma_start3A_57] : memref<40x128xi32, #tpu.memory_space<vmem>> -> memref<1x128xi32, #tpu.memory_space<vmem>>
      %dma_start3A_59 = tpu.memref_squeeze %dma_start3A_58 : memref<1x128xi32, #tpu.memory_space<vmem>> -> memref<128xi32, #tpu.memory_space<vmem>>
      %dma_start3A_60 = arith.constant 0 : i32
      %dma_start3A_61 = tpu.memref_slice %dma_start3A_59[%dma_start3A_60] : memref<128xi32, #tpu.memory_space<vmem>> -> memref<64xi32, #tpu.memory_space<vmem>>
      %dma_start3A_62 = arith.constant 0 : i32
      %dma_start3A_63 = arith.constant 0 : i32
      %dma_start3A_64 = tpu.memref_slice %arg2[%dma_start3A_62, %dma_start3A_63] : memref<10000x128xf32, #tpu.memory_space<hbm>> -> memref<10000x128xf32, #tpu.memory_space<hbm>>
      %dma_start3A_65 = tpu.memref_slice %arg9[%dma_start3A_49] : memref<4x!tpu.dma_semaphore, #tpu.memory_space<semaphore_mem>> -> memref<1x!tpu.dma_semaphore, #tpu.memory_space<semaphore_mem>>
      %dma_start3A_66 = tpu.memref_squeeze %dma_start3A_65 : memref<1x!tpu.dma_semaphore, #tpu.memory_space<semaphore_mem>> -> memref<!tpu.dma_semaphore, #tpu.memory_space<semaphore_mem>>
      tpu.enqueue_indirect_dma source(%dma_start3A_64 : memref<10000x128xf32, #tpu.memory_space<hbm>>) target(%dma_start3A_56 : memref<64x128xf32, #tpu.memory_space<vmem>>) offsets(%dma_start3A_61 : memref<64xi32, #tpu.memory_space<vmem>>) semaphore(%dma_start3A_66 : memref<!tpu.dma_semaphore, #tpu.memory_space<semaphore_mem>>)
      %dma_start3A_67 = arith.constant 0 : i32
      %dma_start3A_68 = arith.constant 0 : i32
      %dma_start3A_69 = arith.constant 1 : i32
      %dma_start3A_70 = arith.constant 0 : i32
      %dma_start3A_71 = arith.constant 0 : i32
      %dma_start3A_72 = tpu.memref_slice %arg7[%dma_start3A_68, %dma_start3A_70, %dma_start3A_71] : memref<2x128x128xf32, #tpu.memory_space<vmem>> -> memref<1x128x128xf32, #tpu.memory_space<vmem>>
      %dma_start3A_73 = tpu.memref_squeeze %dma_start3A_72 : memref<1x128x128xf32, #tpu.memory_space<vmem>> -> memref<128x128xf32, #tpu.memory_space<vmem>>
      %dma_start3A_74 = arith.constant 64 : i32
      %dma_start3A_75 = arith.constant 0 : i32
      %dma_start3A_76 = tpu.memref_slice %dma_start3A_73[%dma_start3A_74, %dma_start3A_75] : memref<128x128xf32, #tpu.memory_space<vmem>> -> memref<64x128xf32, #tpu.memory_space<vmem>>
      %dma_start3A_77 = arith.constant 0 : i32
      %dma_start3A_78 = tpu.memref_slice %arg5[%dma_start3A_67, %dma_start3A_77] : memref<40x128xi32, #tpu.memory_space<vmem>> -> memref<1x128xi32, #tpu.memory_space<vmem>>
      %dma_start3A_79 = tpu.memref_squeeze %dma_start3A_78 : memref<1x128xi32, #tpu.memory_space<vmem>> -> memref<128xi32, #tpu.memory_space<vmem>>
      %dma_start3A_80 = arith.constant 64 : i32
      %dma_start3A_81 = tpu.memref_slice %dma_start3A_79[%dma_start3A_80] : memref<128xi32, #tpu.memory_space<vmem>> -> memref<64xi32, #tpu.memory_space<vmem>>
      %dma_start3A_82 = arith.constant 0 : i32
      %dma_start3A_83 = arith.constant 0 : i32
      %dma_start3A_84 = tpu.memref_slice %arg2[%dma_start3A_82, %dma_start3A_83] : memref<10000x128xf32, #tpu.memory_space<hbm>> -> memref<10000x128xf32, #tpu.memory_space<hbm>>
      %dma_start3A_85 = tpu.memref_slice %arg9[%dma_start3A_69] : memref<4x!tpu.dma_semaphore, #tpu.memory_space<semaphore_mem>> -> memref<1x!tpu.dma_semaphore, #tpu.memory_space<semaphore_mem>>
      %dma_start3A_86 = tpu.memref_squeeze %dma_start3A_85 : memref<1x!tpu.dma_semaphore, #tpu.memory_space<semaphore_mem>> -> memref<!tpu.dma_semaphore, #tpu.memory_space<semaphore_mem>>
      tpu.enqueue_indirect_dma source(%dma_start3A_84 : memref<10000x128xf32, #tpu.memory_space<hbm>>) target(%dma_start3A_76 : memref<64x128xf32, #tpu.memory_space<vmem>>) offsets(%dma_start3A_81 : memref<64xi32, #tpu.memory_space<vmem>>) semaphore(%dma_start3A_86 : memref<!tpu.dma_semaphore, #tpu.memory_space<semaphore_mem>>)
      %dma_start3A_87 = arith.constant 1 : i32
      %dma_start3A_88 = arith.constant 1 : i32
      %dma_start3A_89 = arith.constant 2 : i32
      %dma_start3A_90 = arith.constant 0 : i32
      %dma_start3A_91 = arith.constant 0 : i32
      %dma_start3A_92 = tpu.memref_slice %arg7[%dma_start3A_88, %dma_start3A_90, %dma_start3A_91] : memref<2x128x128xf32, #tpu.memory_space<vmem>> -> memref<1x128x128xf32, #tpu.memory_space<vmem>>
      %dma_start3A_93 = tpu.memref_squeeze %dma_start3A_92 : memref<1x128x128xf32, #tpu.memory_space<vmem>> -> memref<128x128xf32, #tpu.memory_space<vmem>>
      %dma_start3A_94 = arith.constant 0 : i32
      %dma_start3A_95 = arith.constant 0 : i32
      %dma_start3A_96 = tpu.memref_slice %dma_start3A_93[%dma_start3A_94, %dma_start3A_95] : memref<128x128xf32, #tpu.memory_space<vmem>> -> memref<64x128xf32, #tpu.memory_space<vmem>>
      %dma_start3A_97 = arith.constant 0 : i32
      %dma_start3A_98 = tpu.memref_slice %arg5[%dma_start3A_87, %dma_start3A_97] : memref<40x128xi32, #tpu.memory_space<vmem>> -> memref<1x128xi32, #tpu.memory_space<vmem>>
      %dma_start3A_99 = tpu.memref_squeeze %dma_start3A_98 : memref<1x128xi32, #tpu.memory_space<vmem>> -> memref<128xi32, #tpu.memory_space<vmem>>
      %dma_start3A_100 = arith.constant 0 : i32
      %dma_start3A_101 = tpu.memref_slice %dma_start3A_99[%dma_start3A_100] : memref<128xi32, #tpu.memory_space<vmem>> -> memref<64xi32, #tpu.memory_space<vmem>>
      %dma_start3A_102 = arith.constant 0 : i32
      %dma_start3A_103 = arith.constant 0 : i32
      %dma_start3A_104 = tpu.memref_slice %arg2[%dma_start3A_102, %dma_start3A_103] : memref<10000x128xf32, #tpu.memory_space<hbm>> -> memref<10000x128xf32, #tpu.memory_space<hbm>>
      %dma_start3A_105 = tpu.memref_slice %arg9[%dma_start3A_89] : memref<4x!tpu.dma_semaphore, #tpu.memory_space<semaphore_mem>> -> memref<1x!tpu.dma_semaphore, #tpu.memory_space<semaphore_mem>>
      %dma_start3A_106 = tpu.memref_squeeze %dma_start3A_105 : memref<1x!tpu.dma_semaphore, #tpu.memory_space<semaphore_mem>> -> memref<!tpu.dma_semaphore, #tpu.memory_space<semaphore_mem>>
      tpu.enqueue_indirect_dma source(%dma_start3A_104 : memref<10000x128xf32, #tpu.memory_space<hbm>>) target(%dma_start3A_96 : memref<64x128xf32, #tpu.memory_space<vmem>>) offsets(%dma_start3A_101 : memref<64xi32, #tpu.memory_space<vmem>>) semaphore(%dma_start3A_106 : memref<!tpu.dma_semaphore, #tpu.memory_space<semaphore_mem>>)
      %dma_start3A_107 = arith.constant 1 : i32
      %dma_start3A_108 = arith.constant 1 : i32
      %dma_start3A_109 = arith.constant 3 : i32
      %dma_start3A_110 = arith.constant 0 : i32
      %dma_start3A_111 = arith.constant 0 : i32
      %dma_start3A_112 = tpu.memref_slice %arg7[%dma_start3A_108, %dma_start3A_110, %dma_start3A_111] : memref<2x128x128xf32, #tpu.memory_space<vmem>> -> memref<1x128x128xf32, #tpu.memory_space<vmem>>
      %dma_start3A_113 = tpu.memref_squeeze %dma_start3A_112 : memref<1x128x128xf32, #tpu.memory_space<vmem>> -> memref<128x128xf32, #tpu.memory_space<vmem>>
      %dma_start3A_114 = arith.constant 64 : i32
      %dma_start3A_115 = arith.constant 0 : i32
      %dma_start3A_116 = tpu.memref_slice %dma_start3A_113[%dma_start3A_114, %dma_start3A_115] : memref<128x128xf32, #tpu.memory_space<vmem>> -> memref<64x128xf32, #tpu.memory_space<vmem>>
      %dma_start3A_117 = arith.constant 0 : i32
      %dma_start3A_118 = tpu.memref_slice %arg5[%dma_start3A_107, %dma_start3A_117] : memref<40x128xi32, #tpu.memory_space<vmem>> -> memref<1x128xi32, #tpu.memory_space<vmem>>
      %dma_start3A_119 = tpu.memref_squeeze %dma_start3A_118 : memref<1x128xi32, #tpu.memory_space<vmem>> -> memref<128xi32, #tpu.memory_space<vmem>>
      %dma_start3A_120 = arith.constant 64 : i32
      %dma_start3A_121 = tpu.memref_slice %dma_start3A_119[%dma_start3A_120] : memref<128xi32, #tpu.memory_space<vmem>> -> memref<64xi32, #tpu.memory_space<vmem>>
      %dma_start3A_122 = arith.constant 0 : i32
      %dma_start3A_123 = arith.constant 0 : i32
      %dma_start3A_124 = tpu.memref_slice %arg2[%dma_start3A_122, %dma_start3A_123] : memref<10000x128xf32, #tpu.memory_space<hbm>> -> memref<10000x128xf32, #tpu.memory_space<hbm>>
      %dma_start3A_125 = tpu.memref_slice %arg9[%dma_start3A_109] : memref<4x!tpu.dma_semaphore, #tpu.memory_space<semaphore_mem>> -> memref<1x!tpu.dma_semaphore, #tpu.memory_space<semaphore_mem>>
      %dma_start3A_126 = tpu.memref_squeeze %dma_start3A_125 : memref<1x!tpu.dma_semaphore, #tpu.memory_space<semaphore_mem>> -> memref<!tpu.dma_semaphore, #tpu.memory_space<semaphore_mem>>
      tpu.enqueue_indirect_dma source(%dma_start3A_124 : memref<10000x128xf32, #tpu.memory_space<hbm>>) target(%dma_start3A_116 : memref<64x128xf32, #tpu.memory_space<vmem>>) offsets(%dma_start3A_121 : memref<64xi32, #tpu.memory_space<vmem>>) semaphore(%dma_start3A_126 : memref<!tpu.dma_semaphore, #tpu.memory_space<semaphore_mem>>)
      %scan3A_127 = arith.constant 0 : i32
      %scan3A_128 = arith.constant 0 : i32
      %scan3A_129 = arith.constant 10 : i32
      %scan3A_130 = arith.addi %scan3A_128, %scan3A_129 : i32
      %scan3A_131 = arith.constant 1 : i32
      scf.for %scan3A_133 = %scan3A_128 to %scan3A_130 step %scan3A_131  : i32 {
        %mul3A_134 = arith.constant 2 : i32
        %mul3A_135 = arith.muli %scan3A_133, %mul3A_134 : i32
        %add3A_136 = arith.constant 0 : i32
        %add3A_137 = arith.addi %mul3A_135, %add3A_136 : i32
        %dma_wait3A = arith.constant 0 : i32
        %dma_wait3A_138 = arith.constant 0 : i32
        %dma_wait3A_139 = arith.constant 0 : i32
        %dma_wait3A_140 = arith.constant 0 : i32
        %dma_wait3A_141 = tpu.memref_slice %arg7[%dma_wait3A, %dma_wait3A_139, %dma_wait3A_140] : memref<2x128x128xf32, #tpu.memory_space<vmem>> -> memref<1x128x128xf32, #tpu.memory_space<vmem>>
        %dma_wait3A_142 = tpu.memref_squeeze %dma_wait3A_141 : memref<1x128x128xf32, #tpu.memory_space<vmem>> -> memref<128x128xf32, #tpu.memory_space<vmem>>
        %dma_wait3A_143 = arith.constant 0 : i32
        %dma_wait3A_144 = arith.constant 0 : i32
        %dma_wait3A_145 = tpu.memref_slice %dma_wait3A_142[%dma_wait3A_143, %dma_wait3A_144] : memref<128x128xf32, #tpu.memory_space<vmem>> -> memref<64x128xf32, #tpu.memory_space<vmem>>
        %dma_wait3A_146 = arith.constant 0 : i32
        %dma_wait3A_147 = tpu.memref_slice %arg5[%add3A_137, %dma_wait3A_146] : memref<40x128xi32, #tpu.memory_space<vmem>> -> memref<1x128xi32, #tpu.memory_space<vmem>>
        %dma_wait3A_148 = tpu.memref_squeeze %dma_wait3A_147 : memref<1x128xi32, #tpu.memory_space<vmem>> -> memref<128xi32, #tpu.memory_space<vmem>>
        %dma_wait3A_149 = arith.constant 0 : i32
        %dma_wait3A_150 = tpu.memref_slice %dma_wait3A_148[%dma_wait3A_149] : memref<128xi32, #tpu.memory_space<vmem>> -> memref<64xi32, #tpu.memory_space<vmem>>
        %dma_wait3A_151 = arith.constant 0 : i32
        %dma_wait3A_152 = arith.constant 0 : i32
        %dma_wait3A_153 = tpu.memref_slice %arg2[%dma_wait3A_151, %dma_wait3A_152] : memref<10000x128xf32, #tpu.memory_space<hbm>> -> memref<10000x128xf32, #tpu.memory_space<hbm>>
        %dma_wait3A_154 = tpu.memref_slice %arg9[%dma_wait3A_138] : memref<4x!tpu.dma_semaphore, #tpu.memory_space<semaphore_mem>> -> memref<1x!tpu.dma_semaphore, #tpu.memory_space<semaphore_mem>>
        %dma_wait3A_155 = tpu.memref_squeeze %dma_wait3A_154 : memref<1x!tpu.dma_semaphore, #tpu.memory_space<semaphore_mem>> -> memref<!tpu.dma_semaphore, #tpu.memory_space<semaphore_mem>>
        tpu.wait_indirect_dma semaphore(%dma_wait3A_155 : memref<!tpu.dma_semaphore, #tpu.memory_space<semaphore_mem>>) src(%dma_wait3A_153 : memref<10000x128xf32, #tpu.memory_space<hbm>>) dst(%dma_wait3A_145 : memref<64x128xf32, #tpu.memory_space<vmem>>)
        %dma_wait3A_156 = arith.constant 0 : i32
        %dma_wait3A_157 = arith.constant 1 : i32
        %dma_wait3A_158 = arith.constant 0 : i32
        %dma_wait3A_159 = arith.constant 0 : i32
        %dma_wait3A_160 = tpu.memref_slice %arg7[%dma_wait3A_156, %dma_wait3A_158, %dma_wait3A_159] : memref<2x128x128xf32, #tpu.memory_space<vmem>> -> memref<1x128x128xf32, #tpu.memory_space<vmem>>
        %dma_wait3A_161 = tpu.memref_squeeze %dma_wait3A_160 : memref<1x128x128xf32, #tpu.memory_space<vmem>> -> memref<128x128xf32, #tpu.memory_space<vmem>>
        %dma_wait3A_162 = arith.constant 64 : i32
        %dma_wait3A_163 = arith.constant 0 : i32
        %dma_wait3A_164 = tpu.memref_slice %dma_wait3A_161[%dma_wait3A_162, %dma_wait3A_163] : memref<128x128xf32, #tpu.memory_space<vmem>> -> memref<64x128xf32, #tpu.memory_space<vmem>>
        %dma_wait3A_165 = arith.constant 0 : i32
        %dma_wait3A_166 = tpu.memref_slice %arg5[%add3A_137, %dma_wait3A_165] : memref<40x128xi32, #tpu.memory_space<vmem>> -> memref<1x128xi32, #tpu.memory_space<vmem>>
        %dma_wait3A_167 = tpu.memref_squeeze %dma_wait3A_166 : memref<1x128xi32, #tpu.memory_space<vmem>> -> memref<128xi32, #tpu.memory_space<vmem>>
        %dma_wait3A_168 = arith.constant 64 : i32
        %dma_wait3A_169 = tpu.memref_slice %dma_wait3A_167[%dma_wait3A_168] : memref<128xi32, #tpu.memory_space<vmem>> -> memref<64xi32, #tpu.memory_space<vmem>>
        %dma_wait3A_170 = arith.constant 0 : i32
        %dma_wait3A_171 = arith.constant 0 : i32
        %dma_wait3A_172 = tpu.memref_slice %arg2[%dma_wait3A_170, %dma_wait3A_171] : memref<10000x128xf32, #tpu.memory_space<hbm>> -> memref<10000x128xf32, #tpu.memory_space<hbm>>
        %dma_wait3A_173 = tpu.memref_slice %arg9[%dma_wait3A_157] : memref<4x!tpu.dma_semaphore, #tpu.memory_space<semaphore_mem>> -> memref<1x!tpu.dma_semaphore, #tpu.memory_space<semaphore_mem>>
        %dma_wait3A_174 = tpu.memref_squeeze %dma_wait3A_173 : memref<1x!tpu.dma_semaphore, #tpu.memory_space<semaphore_mem>> -> memref<!tpu.dma_semaphore, #tpu.memory_space<semaphore_mem>>
        tpu.wait_indirect_dma semaphore(%dma_wait3A_174 : memref<!tpu.dma_semaphore, #tpu.memory_space<semaphore_mem>>) src(%dma_wait3A_172 : memref<10000x128xf32, #tpu.memory_space<hbm>>) dst(%dma_wait3A_164 : memref<64x128xf32, #tpu.memory_space<vmem>>)
        %run_scoped3A_175 = arith.constant 0 : i32
        "tpu.region"() ({
          %run_scoped3A_232 = tpu.sem_alloc : memref<!tpu.dma_semaphore, #tpu.memory_space<semaphore_mem>>
          %dma_start3A_233 = arith.constant 0 : i32
          %dma_start3A_234 = arith.constant 0 : i32
          %dma_start3A_235 = tpu.memref_slice %arg7[%run_scoped3A_175, %dma_start3A_233, %dma_start3A_234] : memref<2x128x128xf32, #tpu.memory_space<vmem>> -> memref<1x128x128xf32, #tpu.memory_space<vmem>>
          %dma_start3A_236 = tpu.memref_squeeze %dma_start3A_235 : memref<1x128x128xf32, #tpu.memory_space<vmem>> -> memref<128x128xf32, #tpu.memory_space<vmem>>
          %dma_start3A_237 = arith.constant 0 : i32
          %dma_start3A_238 = tpu.memref_slice %arg6[%add3A_137, %dma_start3A_237] : memref<40x128xi32, #tpu.memory_space<vmem>> -> memref<1x128xi32, #tpu.memory_space<vmem>>
          %dma_start3A_239 = tpu.memref_squeeze %dma_start3A_238 : memref<1x128xi32, #tpu.memory_space<vmem>> -> memref<128xi32, #tpu.memory_space<vmem>>
          %dma_start3A_240 = arith.constant 0 : i32
          %dma_start3A_241 = arith.constant 0 : i32
          %dma_start3A_242 = tpu.memref_slice %arg8[%dma_start3A_240, %dma_start3A_241] : memref<10240x128xf32, #tpu.memory_space<vmem_shared>> -> memref<10240x128xf32, #tpu.memory_space<vmem_shared>>
          tpu.enqueue_indirect_dma source(%dma_start3A_236 : memref<128x128xf32, #tpu.memory_space<vmem>>) target(%dma_start3A_242 : memref<10240x128xf32, #tpu.memory_space<vmem_shared>>) offsets(%dma_start3A_239 : memref<128xi32, #tpu.memory_space<vmem>>) semaphore(%run_scoped3A_232 : memref<!tpu.dma_semaphore, #tpu.memory_space<semaphore_mem>>) {add = true}
          %dma_wait3A_243 = arith.constant 0 : i32
          %dma_wait3A_244 = arith.constant 0 : i32
          %dma_wait3A_245 = tpu.memref_slice %arg7[%run_scoped3A_175, %dma_wait3A_243, %dma_wait3A_244] : memref<2x128x128xf32, #tpu.memory_space<vmem>> -> memref<1x128x128xf32, #tpu.memory_space<vmem>>
          %dma_wait3A_246 = tpu.memref_squeeze %dma_wait3A_245 : memref<1x128x128xf32, #tpu.memory_space<vmem>> -> memref<128x128xf32, #tpu.memory_space<vmem>>
          %dma_wait3A_247 = arith.constant 0 : i32
          %dma_wait3A_248 = tpu.memref_slice %arg6[%add3A_137, %dma_wait3A_247] : memref<40x128xi32, #tpu.memory_space<vmem>> -> memref<1x128xi32, #tpu.memory_space<vmem>>
          %dma_wait3A_249 = tpu.memref_squeeze %dma_wait3A_248 : memref<1x128xi32, #tpu.memory_space<vmem>> -> memref<128xi32, #tpu.memory_space<vmem>>
          %dma_wait3A_250 = arith.constant 0 : i32
          %dma_wait3A_251 = arith.constant 0 : i32
          %dma_wait3A_252 = tpu.memref_slice %arg8[%dma_wait3A_250, %dma_wait3A_251] : memref<10240x128xf32, #tpu.memory_space<vmem_shared>> -> memref<10240x128xf32, #tpu.memory_space<vmem_shared>>
          tpu.wait_indirect_dma semaphore(%run_scoped3A_232 : memref<!tpu.dma_semaphore, #tpu.memory_space<semaphore_mem>>) src(%dma_wait3A_246 : memref<128x128xf32, #tpu.memory_space<vmem>>) dst(%dma_wait3A_252 : memref<10240x128xf32, #tpu.memory_space<vmem_shared>>)
          tpu.yield
        }) : () -> ()
        %add3A_176 = arith.constant 2 : i32
        %add3A_177 = arith.addi %add3A_137, %add3A_176 : i32
        %lt3A = arith.constant 20 : i32
        %lt3A_178 = arith.cmpi slt, %add3A_177, %lt3A : i32
        %convert_element_type3A_179 = arith.extui %lt3A_178 : i1 to i32
        %cond3A_180 = arith.constant 0 : i32
        %cond3A_181 = arith.cmpi ne, %convert_element_type3A_179, %cond3A_180 : i32
        scf.if %cond3A_181 {
          %add3A_232 = arith.constant 2 : i32
          %add3A_233 = arith.addi %add3A_137, %add3A_232 : i32
          %dma_start3A_234 = arith.constant 0 : i32
          %dma_start3A_235 = arith.constant 0 : i32
          %dma_start3A_236 = arith.constant 0 : i32
          %dma_start3A_237 = arith.constant 0 : i32
          %dma_start3A_238 = tpu.memref_slice %arg7[%dma_start3A_234, %dma_start3A_236, %dma_start3A_237] : memref<2x128x128xf32, #tpu.memory_space<vmem>> -> memref<1x128x128xf32, #tpu.memory_space<vmem>>
          %dma_start3A_239 = tpu.memref_squeeze %dma_start3A_238 : memref<1x128x128xf32, #tpu.memory_space<vmem>> -> memref<128x128xf32, #tpu.memory_space<vmem>>
          %dma_start3A_240 = arith.constant 0 : i32
          %dma_start3A_241 = arith.constant 0 : i32
          %dma_start3A_242 = tpu.memref_slice %dma_start3A_239[%dma_start3A_240, %dma_start3A_241] : memref<128x128xf32, #tpu.memory_space<vmem>> -> memref<64x128xf32, #tpu.memory_space<vmem>>
          %dma_start3A_243 = arith.constant 0 : i32
          %dma_start3A_244 = tpu.memref_slice %arg5[%add3A_233, %dma_start3A_243] : memref<40x128xi32, #tpu.memory_space<vmem>> -> memref<1x128xi32, #tpu.memory_space<vmem>>
          %dma_start3A_245 = tpu.memref_squeeze %dma_start3A_244 : memref<1x128xi32, #tpu.memory_space<vmem>> -> memref<128xi32, #tpu.memory_space<vmem>>
          %dma_start3A_246 = arith.constant 0 : i32
          %dma_start3A_247 = tpu.memref_slice %dma_start3A_245[%dma_start3A_246] : memref<128xi32, #tpu.memory_space<vmem>> -> memref<64xi32, #tpu.memory_space<vmem>>
          %dma_start3A_248 = arith.constant 0 : i32
          %dma_start3A_249 = arith.constant 0 : i32
          %dma_start3A_250 = tpu.memref_slice %arg2[%dma_start3A_248, %dma_start3A_249] : memref<10000x128xf32, #tpu.memory_space<hbm>> -> memref<10000x128xf32, #tpu.memory_space<hbm>>
          %dma_start3A_251 = tpu.memref_slice %arg9[%dma_start3A_235] : memref<4x!tpu.dma_semaphore, #tpu.memory_space<semaphore_mem>> -> memref<1x!tpu.dma_semaphore, #tpu.memory_space<semaphore_mem>>
          %dma_start3A_252 = tpu.memref_squeeze %dma_start3A_251 : memref<1x!tpu.dma_semaphore, #tpu.memory_space<semaphore_mem>> -> memref<!tpu.dma_semaphore, #tpu.memory_space<semaphore_mem>>
          tpu.enqueue_indirect_dma source(%dma_start3A_250 : memref<10000x128xf32, #tpu.memory_space<hbm>>) target(%dma_start3A_242 : memref<64x128xf32, #tpu.memory_space<vmem>>) offsets(%dma_start3A_247 : memref<64xi32, #tpu.memory_space<vmem>>) semaphore(%dma_start3A_252 : memref<!tpu.dma_semaphore, #tpu.memory_space<semaphore_mem>>)
          %dma_start3A_253 = arith.constant 0 : i32
          %dma_start3A_254 = arith.constant 1 : i32
          %dma_start3A_255 = arith.constant 0 : i32
          %dma_start3A_256 = arith.constant 0 : i32
          %dma_start3A_257 = tpu.memref_slice %arg7[%dma_start3A_253, %dma_start3A_255, %dma_start3A_256] : memref<2x128x128xf32, #tpu.memory_space<vmem>> -> memref<1x128x128xf32, #tpu.memory_space<vmem>>
          %dma_start3A_258 = tpu.memref_squeeze %dma_start3A_257 : memref<1x128x128xf32, #tpu.memory_space<vmem>> -> memref<128x128xf32, #tpu.memory_space<vmem>>
          %dma_start3A_259 = arith.constant 64 : i32
          %dma_start3A_260 = arith.constant 0 : i32
          %dma_start3A_261 = tpu.memref_slice %dma_start3A_258[%dma_start3A_259, %dma_start3A_260] : memref<128x128xf32, #tpu.memory_space<vmem>> -> memref<64x128xf32, #tpu.memory_space<vmem>>
          %dma_start3A_262 = arith.constant 0 : i32
          %dma_start3A_263 = tpu.memref_slice %arg5[%add3A_233, %dma_start3A_262] : memref<40x128xi32, #tpu.memory_space<vmem>> -> memref<1x128xi32, #tpu.memory_space<vmem>>
          %dma_start3A_264 = tpu.memref_squeeze %dma_start3A_263 : memref<1x128xi32, #tpu.memory_space<vmem>> -> memref<128xi32, #tpu.memory_space<vmem>>
          %dma_start3A_265 = arith.constant 64 : i32
          %dma_start3A_266 = tpu.memref_slice %dma_start3A_264[%dma_start3A_265] : memref<128xi32, #tpu.memory_space<vmem>> -> memref<64xi32, #tpu.memory_space<vmem>>
          %dma_start3A_267 = arith.constant 0 : i32
          %dma_start3A_268 = arith.constant 0 : i32
          %dma_start3A_269 = tpu.memref_slice %arg2[%dma_start3A_267, %dma_start3A_268] : memref<10000x128xf32, #tpu.memory_space<hbm>> -> memref<10000x128xf32, #tpu.memory_space<hbm>>
          %dma_start3A_270 = tpu.memref_slice %arg9[%dma_start3A_254] : memref<4x!tpu.dma_semaphore, #tpu.memory_space<semaphore_mem>> -> memref<1x!tpu.dma_semaphore, #tpu.memory_space<semaphore_mem>>
          %dma_start3A_271 = tpu.memref_squeeze %dma_start3A_270 : memref<1x!tpu.dma_semaphore, #tpu.memory_space<semaphore_mem>> -> memref<!tpu.dma_semaphore, #tpu.memory_space<semaphore_mem>>
          tpu.enqueue_indirect_dma source(%dma_start3A_269 : memref<10000x128xf32, #tpu.memory_space<hbm>>) target(%dma_start3A_261 : memref<64x128xf32, #tpu.memory_space<vmem>>) offsets(%dma_start3A_266 : memref<64xi32, #tpu.memory_space<vmem>>) semaphore(%dma_start3A_271 : memref<!tpu.dma_semaphore, #tpu.memory_space<semaphore_mem>>)
        } else {
        }
        %mul3A_182 = arith.constant 2 : i32
        %mul3A_183 = arith.muli %scan3A_133, %mul3A_182 : i32
        %add3A_184 = arith.constant 1 : i32
        %add3A_185 = arith.addi %mul3A_183, %add3A_184 : i32
        %dma_wait3A_186 = arith.constant 1 : i32
        %dma_wait3A_187 = arith.constant 2 : i32
        %dma_wait3A_188 = arith.constant 0 : i32
        %dma_wait3A_189 = arith.constant 0 : i32
        %dma_wait3A_190 = tpu.memref_slice %arg7[%dma_wait3A_186, %dma_wait3A_188, %dma_wait3A_189] : memref<2x128x128xf32, #tpu.memory_space<vmem>> -> memref<1x128x128xf32, #tpu.memory_space<vmem>>
        %dma_wait3A_191 = tpu.memref_squeeze %dma_wait3A_190 : memref<1x128x128xf32, #tpu.memory_space<vmem>> -> memref<128x128xf32, #tpu.memory_space<vmem>>
        %dma_wait3A_192 = arith.constant 0 : i32
        %dma_wait3A_193 = arith.constant 0 : i32
        %dma_wait3A_194 = tpu.memref_slice %dma_wait3A_191[%dma_wait3A_192, %dma_wait3A_193] : memref<128x128xf32, #tpu.memory_space<vmem>> -> memref<64x128xf32, #tpu.memory_space<vmem>>
        %dma_wait3A_195 = arith.constant 0 : i32
        %dma_wait3A_196 = tpu.memref_slice %arg5[%add3A_185, %dma_wait3A_195] : memref<40x128xi32, #tpu.memory_space<vmem>> -> memref<1x128xi32, #tpu.memory_space<vmem>>
        %dma_wait3A_197 = tpu.memref_squeeze %dma_wait3A_196 : memref<1x128xi32, #tpu.memory_space<vmem>> -> memref<128xi32, #tpu.memory_space<vmem>>
        %dma_wait3A_198 = arith.constant 0 : i32
        %dma_wait3A_199 = tpu.memref_slice %dma_wait3A_197[%dma_wait3A_198] : memref<128xi32, #tpu.memory_space<vmem>> -> memref<64xi32, #tpu.memory_space<vmem>>
        %dma_wait3A_200 = arith.constant 0 : i32
        %dma_wait3A_201 = arith.constant 0 : i32
        %dma_wait3A_202 = tpu.memref_slice %arg2[%dma_wait3A_200, %dma_wait3A_201] : memref<10000x128xf32, #tpu.memory_space<hbm>> -> memref<10000x128xf32, #tpu.memory_space<hbm>>
        %dma_wait3A_203 = tpu.memref_slice %arg9[%dma_wait3A_187] : memref<4x!tpu.dma_semaphore, #tpu.memory_space<semaphore_mem>> -> memref<1x!tpu.dma_semaphore, #tpu.memory_space<semaphore_mem>>
        %dma_wait3A_204 = tpu.memref_squeeze %dma_wait3A_203 : memref<1x!tpu.dma_semaphore, #tpu.memory_space<semaphore_mem>> -> memref<!tpu.dma_semaphore, #tpu.memory_space<semaphore_mem>>
        tpu.wait_indirect_dma semaphore(%dma_wait3A_204 : memref<!tpu.dma_semaphore, #tpu.memory_space<semaphore_mem>>) src(%dma_wait3A_202 : memref<10000x128xf32, #tpu.memory_space<hbm>>) dst(%dma_wait3A_194 : memref<64x128xf32, #tpu.memory_space<vmem>>)
        %dma_wait3A_205 = arith.constant 1 : i32
        %dma_wait3A_206 = arith.constant 3 : i32
        %dma_wait3A_207 = arith.constant 0 : i32
        %dma_wait3A_208 = arith.constant 0 : i32
        %dma_wait3A_209 = tpu.memref_slice %arg7[%dma_wait3A_205, %dma_wait3A_207, %dma_wait3A_208] : memref<2x128x128xf32, #tpu.memory_space<vmem>> -> memref<1x128x128xf32, #tpu.memory_space<vmem>>
        %dma_wait3A_210 = tpu.memref_squeeze %dma_wait3A_209 : memref<1x128x128xf32, #tpu.memory_space<vmem>> -> memref<128x128xf32, #tpu.memory_space<vmem>>
        %dma_wait3A_211 = arith.constant 64 : i32
        %dma_wait3A_212 = arith.constant 0 : i32
        %dma_wait3A_213 = tpu.memref_slice %dma_wait3A_210[%dma_wait3A_211, %dma_wait3A_212] : memref<128x128xf32, #tpu.memory_space<vmem>> -> memref<64x128xf32, #tpu.memory_space<vmem>>
        %dma_wait3A_214 = arith.constant 0 : i32
        %dma_wait3A_215 = tpu.memref_slice %arg5[%add3A_185, %dma_wait3A_214] : memref<40x128xi32, #tpu.memory_space<vmem>> -> memref<1x128xi32, #tpu.memory_space<vmem>>
        %dma_wait3A_216 = tpu.memref_squeeze %dma_wait3A_215 : memref<1x128xi32, #tpu.memory_space<vmem>> -> memref<128xi32, #tpu.memory_space<vmem>>
        %dma_wait3A_217 = arith.constant 64 : i32
        %dma_wait3A_218 = tpu.memref_slice %dma_wait3A_216[%dma_wait3A_217] : memref<128xi32, #tpu.memory_space<vmem>> -> memref<64xi32, #tpu.memory_space<vmem>>
        %dma_wait3A_219 = arith.constant 0 : i32
        %dma_wait3A_220 = arith.constant 0 : i32
        %dma_wait3A_221 = tpu.memref_slice %arg2[%dma_wait3A_219, %dma_wait3A_220] : memref<10000x128xf32, #tpu.memory_space<hbm>> -> memref<10000x128xf32, #tpu.memory_space<hbm>>
        %dma_wait3A_222 = tpu.memref_slice %arg9[%dma_wait3A_206] : memref<4x!tpu.dma_semaphore, #tpu.memory_space<semaphore_mem>> -> memref<1x!tpu.dma_semaphore, #tpu.memory_space<semaphore_mem>>
        %dma_wait3A_223 = tpu.memref_squeeze %dma_wait3A_222 : memref<1x!tpu.dma_semaphore, #tpu.memory_space<semaphore_mem>> -> memref<!tpu.dma_semaphore, #tpu.memory_space<semaphore_mem>>
        tpu.wait_indirect_dma semaphore(%dma_wait3A_223 : memref<!tpu.dma_semaphore, #tpu.memory_space<semaphore_mem>>) src(%dma_wait3A_221 : memref<10000x128xf32, #tpu.memory_space<hbm>>) dst(%dma_wait3A_213 : memref<64x128xf32, #tpu.memory_space<vmem>>)
        %run_scoped3A_224 = arith.constant 1 : i32
        "tpu.region"() ({
          %run_scoped3A_232 = tpu.sem_alloc : memref<!tpu.dma_semaphore, #tpu.memory_space<semaphore_mem>>
          %dma_start3A_233 = arith.constant 0 : i32
          %dma_start3A_234 = arith.constant 0 : i32
          %dma_start3A_235 = tpu.memref_slice %arg7[%run_scoped3A_224, %dma_start3A_233, %dma_start3A_234] : memref<2x128x128xf32, #tpu.memory_space<vmem>> -> memref<1x128x128xf32, #tpu.memory_space<vmem>>
          %dma_start3A_236 = tpu.memref_squeeze %dma_start3A_235 : memref<1x128x128xf32, #tpu.memory_space<vmem>> -> memref<128x128xf32, #tpu.memory_space<vmem>>
          %dma_start3A_237 = arith.constant 0 : i32
          %dma_start3A_238 = tpu.memref_slice %arg6[%add3A_185, %dma_start3A_237] : memref<40x128xi32, #tpu.memory_space<vmem>> -> memref<1x128xi32, #tpu.memory_space<vmem>>
          %dma_start3A_239 = tpu.memref_squeeze %dma_start3A_238 : memref<1x128xi32, #tpu.memory_space<vmem>> -> memref<128xi32, #tpu.memory_space<vmem>>
          %dma_start3A_240 = arith.constant 0 : i32
          %dma_start3A_241 = arith.constant 0 : i32
          %dma_start3A_242 = tpu.memref_slice %arg8[%dma_start3A_240, %dma_start3A_241] : memref<10240x128xf32, #tpu.memory_space<vmem_shared>> -> memref<10240x128xf32, #tpu.memory_space<vmem_shared>>
          tpu.enqueue_indirect_dma source(%dma_start3A_236 : memref<128x128xf32, #tpu.memory_space<vmem>>) target(%dma_start3A_242 : memref<10240x128xf32, #tpu.memory_space<vmem_shared>>) offsets(%dma_start3A_239 : memref<128xi32, #tpu.memory_space<vmem>>) semaphore(%run_scoped3A_232 : memref<!tpu.dma_semaphore, #tpu.memory_space<semaphore_mem>>) {add = true}
          %dma_wait3A_243 = arith.constant 0 : i32
          %dma_wait3A_244 = arith.constant 0 : i32
          %dma_wait3A_245 = tpu.memref_slice %arg7[%run_scoped3A_224, %dma_wait3A_243, %dma_wait3A_244] : memref<2x128x128xf32, #tpu.memory_space<vmem>> -> memref<1x128x128xf32, #tpu.memory_space<vmem>>
          %dma_wait3A_246 = tpu.memref_squeeze %dma_wait3A_245 : memref<1x128x128xf32, #tpu.memory_space<vmem>> -> memref<128x128xf32, #tpu.memory_space<vmem>>
          %dma_wait3A_247 = arith.constant 0 : i32
          %dma_wait3A_248 = tpu.memref_slice %arg6[%add3A_185, %dma_wait3A_247] : memref<40x128xi32, #tpu.memory_space<vmem>> -> memref<1x128xi32, #tpu.memory_space<vmem>>
          %dma_wait3A_249 = tpu.memref_squeeze %dma_wait3A_248 : memref<1x128xi32, #tpu.memory_space<vmem>> -> memref<128xi32, #tpu.memory_space<vmem>>
          %dma_wait3A_250 = arith.constant 0 : i32
          %dma_wait3A_251 = arith.constant 0 : i32
          %dma_wait3A_252 = tpu.memref_slice %arg8[%dma_wait3A_250, %dma_wait3A_251] : memref<10240x128xf32, #tpu.memory_space<vmem_shared>> -> memref<10240x128xf32, #tpu.memory_space<vmem_shared>>
          tpu.wait_indirect_dma semaphore(%run_scoped3A_232 : memref<!tpu.dma_semaphore, #tpu.memory_space<semaphore_mem>>) src(%dma_wait3A_246 : memref<128x128xf32, #tpu.memory_space<vmem>>) dst(%dma_wait3A_252 : memref<10240x128xf32, #tpu.memory_space<vmem_shared>>)
          tpu.yield
        }) : () -> ()
        %add3A_225 = arith.constant 2 : i32
        %add3A_226 = arith.addi %add3A_185, %add3A_225 : i32
        %lt3A_227 = arith.constant 20 : i32
        %lt3A_228 = arith.cmpi slt, %add3A_226, %lt3A_227 : i32
        %convert_element_type3A_229 = arith.extui %lt3A_228 : i1 to i32
        %cond3A_230 = arith.constant 0 : i32
        %cond3A_231 = arith.cmpi ne, %convert_element_type3A_229, %cond3A_230 : i32
        scf.if %cond3A_231 {
          %add3A_232 = arith.constant 2 : i32
          %add3A_233 = arith.addi %add3A_185, %add3A_232 : i32
          %dma_start3A_234 = arith.constant 1 : i32
          %dma_start3A_235 = arith.constant 2 : i32
          %dma_start3A_236 = arith.constant 0 : i32
          %dma_start3A_237 = arith.constant 0 : i32
          %dma_start3A_238 = tpu.memref_slice %arg7[%dma_start3A_234, %dma_start3A_236, %dma_start3A_237] : memref<2x128x128xf32, #tpu.memory_space<vmem>> -> memref<1x128x128xf32, #tpu.memory_space<vmem>>
          %dma_start3A_239 = tpu.memref_squeeze %dma_start3A_238 : memref<1x128x128xf32, #tpu.memory_space<vmem>> -> memref<128x128xf32, #tpu.memory_space<vmem>>
          %dma_start3A_240 = arith.constant 0 : i32
          %dma_start3A_241 = arith.constant 0 : i32
          %dma_start3A_242 = tpu.memref_slice %dma_start3A_239[%dma_start3A_240, %dma_start3A_241] : memref<128x128xf32, #tpu.memory_space<vmem>> -> memref<64x128xf32, #tpu.memory_space<vmem>>
          %dma_start3A_243 = arith.constant 0 : i32
          %dma_start3A_244 = tpu.memref_slice %arg5[%add3A_233, %dma_start3A_243] : memref<40x128xi32, #tpu.memory_space<vmem>> -> memref<1x128xi32, #tpu.memory_space<vmem>>
          %dma_start3A_245 = tpu.memref_squeeze %dma_start3A_244 : memref<1x128xi32, #tpu.memory_space<vmem>> -> memref<128xi32, #tpu.memory_space<vmem>>
          %dma_start3A_246 = arith.constant 0 : i32
          %dma_start3A_247 = tpu.memref_slice %dma_start3A_245[%dma_start3A_246] : memref<128xi32, #tpu.memory_space<vmem>> -> memref<64xi32, #tpu.memory_space<vmem>>
          %dma_start3A_248 = arith.constant 0 : i32
          %dma_start3A_249 = arith.constant 0 : i32
          %dma_start3A_250 = tpu.memref_slice %arg2[%dma_start3A_248, %dma_start3A_249] : memref<10000x128xf32, #tpu.memory_space<hbm>> -> memref<10000x128xf32, #tpu.memory_space<hbm>>
          %dma_start3A_251 = tpu.memref_slice %arg9[%dma_start3A_235] : memref<4x!tpu.dma_semaphore, #tpu.memory_space<semaphore_mem>> -> memref<1x!tpu.dma_semaphore, #tpu.memory_space<semaphore_mem>>
          %dma_start3A_252 = tpu.memref_squeeze %dma_start3A_251 : memref<1x!tpu.dma_semaphore, #tpu.memory_space<semaphore_mem>> -> memref<!tpu.dma_semaphore, #tpu.memory_space<semaphore_mem>>
          tpu.enqueue_indirect_dma source(%dma_start3A_250 : memref<10000x128xf32, #tpu.memory_space<hbm>>) target(%dma_start3A_242 : memref<64x128xf32, #tpu.memory_space<vmem>>) offsets(%dma_start3A_247 : memref<64xi32, #tpu.memory_space<vmem>>) semaphore(%dma_start3A_252 : memref<!tpu.dma_semaphore, #tpu.memory_space<semaphore_mem>>)
          %dma_start3A_253 = arith.constant 1 : i32
          %dma_start3A_254 = arith.constant 3 : i32
          %dma_start3A_255 = arith.constant 0 : i32
          %dma_start3A_256 = arith.constant 0 : i32
          %dma_start3A_257 = tpu.memref_slice %arg7[%dma_start3A_253, %dma_start3A_255, %dma_start3A_256] : memref<2x128x128xf32, #tpu.memory_space<vmem>> -> memref<1x128x128xf32, #tpu.memory_space<vmem>>
          %dma_start3A_258 = tpu.memref_squeeze %dma_start3A_257 : memref<1x128x128xf32, #tpu.memory_space<vmem>> -> memref<128x128xf32, #tpu.memory_space<vmem>>
          %dma_start3A_259 = arith.constant 64 : i32
          %dma_start3A_260 = arith.constant 0 : i32
          %dma_start3A_261 = tpu.memref_slice %dma_start3A_258[%dma_start3A_259, %dma_start3A_260] : memref<128x128xf32, #tpu.memory_space<vmem>> -> memref<64x128xf32, #tpu.memory_space<vmem>>
          %dma_start3A_262 = arith.constant 0 : i32
          %dma_start3A_263 = tpu.memref_slice %arg5[%add3A_233, %dma_start3A_262] : memref<40x128xi32, #tpu.memory_space<vmem>> -> memref<1x128xi32, #tpu.memory_space<vmem>>
          %dma_start3A_264 = tpu.memref_squeeze %dma_start3A_263 : memref<1x128xi32, #tpu.memory_space<vmem>> -> memref<128xi32, #tpu.memory_space<vmem>>
          %dma_start3A_265 = arith.constant 64 : i32
          %dma_start3A_266 = tpu.memref_slice %dma_start3A_264[%dma_start3A_265] : memref<128xi32, #tpu.memory_space<vmem>> -> memref<64xi32, #tpu.memory_space<vmem>>
          %dma_start3A_267 = arith.constant 0 : i32
          %dma_start3A_268 = arith.constant 0 : i32
          %dma_start3A_269 = tpu.memref_slice %arg2[%dma_start3A_267, %dma_start3A_268] : memref<10000x128xf32, #tpu.memory_space<hbm>> -> memref<10000x128xf32, #tpu.memory_space<hbm>>
          %dma_start3A_270 = tpu.memref_slice %arg9[%dma_start3A_254] : memref<4x!tpu.dma_semaphore, #tpu.memory_space<semaphore_mem>> -> memref<1x!tpu.dma_semaphore, #tpu.memory_space<semaphore_mem>>
          %dma_start3A_271 = tpu.memref_squeeze %dma_start3A_270 : memref<1x!tpu.dma_semaphore, #tpu.memory_space<semaphore_mem>> -> memref<!tpu.dma_semaphore, #tpu.memory_space<semaphore_mem>>
          tpu.enqueue_indirect_dma source(%dma_start3A_269 : memref<10000x128xf32, #tpu.memory_space<hbm>>) target(%dma_start3A_261 : memref<64x128xf32, #tpu.memory_space<vmem>>) offsets(%dma_start3A_266 : memref<64xi32, #tpu.memory_space<vmem>>) semaphore(%dma_start3A_271 : memref<!tpu.dma_semaphore, #tpu.memory_space<semaphore_mem>>)
        } else {
        }
      }
      %scan3A_132 = arith.constant 10 : i32
    } else {
    }
    %barrier3A_43 = arith.constant 0 : index
    tpu.barrier barrier_id(%barrier3A_43)
    %mul3A_44 = arith.constant 640 : i32
    %mul3A_45 = arith.muli %arg1, %mul3A_44 : i32
    %mul3A_46 = arith.constant 640 : i32
    %mul3A_47 = arith.muli %arg1, %mul3A_46 : i32
    "tpu.region"() ({
      %run_scoped3A_48 = tpu.sem_alloc : memref<!tpu.dma_semaphore, #tpu.memory_space<semaphore_mem>>
      %dma_start3A = arith.constant 0 : i32
      %dma_start3A_49 = arith.constant 0 : i32
      %dma_start3A_50 = tpu.memref_slice %arg4[%arg0, %dma_start3A, %dma_start3A_49] : memref<2x10240x128xf32, #tpu.memory_space<hbm>> -> memref<1x10240x128xf32, #tpu.memory_space<hbm>>
      %dma_start3A_51 = tpu.memref_squeeze %dma_start3A_50 : memref<1x10240x128xf32, #tpu.memory_space<hbm>> -> memref<10240x128xf32, #tpu.memory_space<hbm>>
      %dma_start3A_52 = arith.constant 0 : i32
      %dma_start3A_53 = tpu.memref_slice %dma_start3A_51[%mul3A_47, %dma_start3A_52] : memref<10240x128xf32, #tpu.memory_space<hbm>> -> memref<640x128xf32, #tpu.memory_space<hbm>>
      %dma_start3A_54 = arith.constant 0 : i32
      %dma_start3A_55 = tpu.memref_slice %arg8[%mul3A_45, %dma_start3A_54] : memref<10240x128xf32, #tpu.memory_space<vmem_shared>> -> memref<640x128xf32, #tpu.memory_space<vmem_shared>>
      tpu.enqueue_dma source(%dma_start3A_55 : memref<640x128xf32, #tpu.memory_space<vmem_shared>>) target(%dma_start3A_53 : memref<640x128xf32, #tpu.memory_space<hbm>>) target_semaphore(%run_scoped3A_48 : memref<!tpu.dma_semaphore, #tpu.memory_space<semaphore_mem>>)
      %dma_wait3A = arith.constant 0 : i32
      %dma_wait3A_56 = arith.constant 0 : i32
      %dma_wait3A_57 = tpu.memref_slice %arg4[%arg0, %dma_wait3A, %dma_wait3A_56] : memref<2x10240x128xf32, #tpu.memory_space<hbm>> -> memref<1x10240x128xf32, #tpu.memory_space<hbm>>
      %dma_wait3A_58 = tpu.memref_squeeze %dma_wait3A_57 : memref<1x10240x128xf32, #tpu.memory_space<hbm>> -> memref<10240x128xf32, #tpu.memory_space<hbm>>
      %dma_wait3A_59 = arith.constant 0 : i32
      %dma_wait3A_60 = tpu.memref_slice %dma_wait3A_58[%mul3A_47, %dma_wait3A_59] : memref<10240x128xf32, #tpu.memory_space<hbm>> -> memref<640x128xf32, #tpu.memory_space<hbm>>
      %dma_wait3A_61 = arith.constant 0 : i32
      %dma_wait3A_62 = tpu.memref_slice %arg8[%mul3A_45, %dma_wait3A_61] : memref<10240x128xf32, #tpu.memory_space<vmem_shared>> -> memref<640x128xf32, #tpu.memory_space<vmem_shared>>
      tpu.wait_dma2 semaphore(%run_scoped3A_48 : memref<!tpu.dma_semaphore, #tpu.memory_space<semaphore_mem>>) src(%dma_wait3A_62 : memref<640x128xf32, #tpu.memory_space<vmem_shared>>) dst(%dma_wait3A_60 : memref<640x128xf32, #tpu.memory_space<hbm>>)
      tpu.yield
    }) : () -> ()
    return
  }
}

module attributes {stable_mosaic.version = 14 : i64} {
  func.func @_combine_body(%arg0: i32, %arg1: memref<1000x128xf32, #tpu.memory_space<vmem>>, %arg2: memref<1000x128xf32, #tpu.memory_space<vmem>>, %arg3: memref<1000x128xf32, #tpu.memory_space<vmem>>) attributes {dimension_semantics = [#tpu.dimension_semantics<arbitrary>], iteration_bounds = array<i64: 10>, scalar_prefetch = 0 : i64, scratch_operands = 0 : i64, tpu.core_type = #tpu.core_type<tc>, window_params = [{transform_indices = @transform_0, window_bounds = array<i64: 1000, 128>}, {transform_indices = @transform_1, window_bounds = array<i64: 1000, 128>}, {transform_indices = @transform_2, window_bounds = array<i64: 1000, 128>}]} {
    %get3A = arith.constant 0 : index
    %get3A_0 = arith.constant 0 : index
    %get3A_1 = vector.load %arg1[%get3A, %get3A_0] : memref<1000x128xf32, #tpu.memory_space<vmem>>, vector<1000x128xf32>
    %get3A_2 = arith.constant 0 : index
    %get3A_3 = arith.constant 0 : index
    %get3A_4 = vector.load %arg2[%get3A_2, %get3A_3] : memref<1000x128xf32, #tpu.memory_space<vmem>>, vector<1000x128xf32>
    %add3A = arith.addf %get3A_1, %get3A_4 : vector<1000x128xf32>
    %swap3A = arith.constant 0 : index
    %swap3A_5 = arith.constant 0 : index
    %swap3A_6 = vector.load %arg3[%swap3A, %swap3A_5] : memref<1000x128xf32, #tpu.memory_space<vmem>>, vector<1000x128xf32>
    tpu.vector_store %arg3[%swap3A, %swap3A_5], %add3A {strides = array<i32>} : memref<1000x128xf32, #tpu.memory_space<vmem>>, vector<1000x128xf32>,
    return
  }
  func.func @transform_0(%arg0: i32) -> (i32, i32) {
    %c0_i32 = arith.constant 0 : i32
    %c0_i32_0 = arith.constant 0 : i32
    return %arg0, %c0_i32 : i32, i32
  }
  func.func @transform_1(%arg0: i32) -> (i32, i32) {
    %c0_i32 = arith.constant 0 : i32
    %c0_i32_0 = arith.constant 0 : i32
    return %arg0, %c0_i32 : i32, i32
  }
  func.func @transform_2(%arg0: i32) -> (i32, i32) {
    %c0_i32 = arith.constant 0 : i32
    %c0_i32_0 = arith.constant 0 : i32
    return %arg0, %c0_i32 : i32, i32
  }
}

</mosaic_0001>

<sc_bundles>
// kernel: kernel.4.cloned.1.call-start
scs
__scs_entry_jumppad:
0x0: {  	(pc) =	sbr.rel $0x88, $3  }
0x1: {  	(tag) =	ssettag $0x0;
	lr =	simm.s32 $0x1  }
0x2: {  	[smem:$0x3F9F] =	sst lr;
	_ =	strace $0xD0000000  }
0x3: {  	_ = 	snop  }
0x4: {  	_ = 	snop  }
0x5: {  	_ = 	snop  }
0x6: {  	_ = 	snop  }
0x7: {  	_ = 	snop  }
__scs_overlays_trampoline_lowered:
0x8: {  	[smem:$0x3FAE] =	sst s0  }
0x9: {  	[smem:$0x3FAF] =	sst s1  }
0xa: {  	[smem:$0x3FB0] =	sst s2  }
0xb: {  	[smem:$0x3FB1] =	sst s3  }
0xc: {  	[smem:$0x3FB2] =	sst s4  }
0xd: {  	[smem:$0x3FB3] =	sst s5  }
0xe: {  	[smem:$0x3FB4] =	sst s6  }
0xf: {  	[smem:$0x3FB5] =	sst s7  }
0x10: {  	[smem:$0x3FB6] =	sst s8  }
0x11: {  	[smem:$0x3FB7] =	sst s9;
	s0 =	simm.s32 @!p0 $0x0  }
0x12: {  	s1 =	sld [smem:$0x3F9D];
	s0 =	simm.s32 @p0 $0x1  }
0x13: {  	[smem:$0x3FB8] =	sst s0;
	s0 =	simm.s32 @!p1 $0x0  }
0x14: {  	s2 =	sld [smem:$0x3F9C];
	s0 =	simm.s32 @p1 $0x1  }
0x15: {  	[smem:$0x3FB9] =	sst s0;
	s0 =	simm.s32 @!p2 $0x0  }
0x16: {  	s3 =	sld [smem:$0x3FDB];
	s0 =	simm.s32 @p2 $0x1  }
0x17: {  	s4 =	simm.s32 $0x1BF5;
	[smem:$0x3FBB] =	sst s0  }
0x18: {  	s0 =	sld [smem:$0x3F9E];
	_ =	swait.ge [sflag:s4], $0x0  }
0x19: {  	s7 =	sld [smem:$0x3F9F]  }
0x1a: {  	s8 =	sadd.s32 $0xFFFFE003, lr  }
0x1b: {  	s9 =	sadd.s32 $0xFFFFFEF7, lr;
	s5 =	simm.s32 $0xFFFFFFFF;
	p2 =	slt.u32 s8, $0xFFFFF086  }
0x1c: {  	p1 =	slt.u32 s9, $0xF7A;
	s5 =	simm.s32 @!p2 $0x0  }
0x1d: {  	s5 =	simm.s32 @p1 $0x1;
	p0 =	seq.s32 s7, s2  }
0x1e: {  	s7 =	smul.u32 @!p0 $0xF7A, s2;
	p2 =	seq.s32 @!p0 s5, $0x0  }
0x1f: {  	s9 =	smul.u32 $0xF7A, s1;
	s8 =	simm.s32 @!p0 $0x1BF5;
	p2 =	por !p2, p0  }
0x20: {  	[sflag:s8] =	ssyncset.s32 @!p0 $0xFFFFF086;
	s6 =	sadd.s32 @!p0 s3, s7;
	s7 =	simm.s32 @!p0 $0x108  }
0x21: {  	s3 =	sadd.s32 s3, s9;
	s6 =	sadd.s32 @!p0 $0x88, s6;
	s7 =	simm.s32 @p2 $0x1082  }
0x22: {  	[simem:s7], [sflag:s8] =	dma.local @!p0 [hbm:s6], $0xF7A  }
0x23: {  	s9 =	sor.u32 $0xD0000000, s2;
	s6 =	simm.s32 $0x108;
	_ =	swait.ge @!p0 [sflag:s8], $0x0  }
0x24: {  	s3 =	sadd.s32 $0x88, s3;
	s6 =	simm.s32 @!p1 $0x1082;
	[sflag:s4] =	ssyncset.s32 $0xFFFFF086  }
0x25: {  	[simem:s6], [sflag:s4] =	dma.local [hbm:s3], $0xF7A  }
0x26: {  	[smem:$0x3F9F] =	sst s1;
	(tag) =	ssettag s2;
	_ =	strace s9  }
0x27: {  	s1 =	sld [smem:$0x3FAF]  }
0x28: {  	s2 =	sld [smem:$0x3FB0]  }
0x29: {  	s4 =	sld [smem:$0x3FB2]  }
0x2a: {  	p0 =	seq.s32 s5, $0x0;
	s5 =	sld [smem:$0x3FB3]  }
0x2b: {  	s6 =	sld [smem:$0x3FB4]  }
0x2c: {  	s7 =	sld [smem:$0x3FB5]  }
0x2d: {  	s3 =	simm.s32 $0x108;
	s8 =	sld [smem:$0x3FB6]  }
0x2e: {  	s3 =	simm.s32 @!p0 $0x1082;
	s9 =	sld [smem:$0x3FB7]  }
0x2f: {  	lr =	sadd.s32 s0, s3;
	s0 =	sld [smem:$0x3FAE]  }
0x30: {  	s3 =	sld [smem:$0x3FB1]  }
0x31: {  	[smem:$0x3FBA] =	sst s10  }
0x32: {  	s10 =	sld [smem:$0x3FB8];
	_ =	sdelay $0x3  }
0x33: {  	p0 =	seq.s32 s10, $0x1;
	s10 =	sld [smem:$0x3FBA];
	_ =	sdelay $0x3  }
0x34: {  	[smem:$0x3FBA] =	sst s10  }
0x35: {  	s10 =	sld [smem:$0x3FB9];
	_ =	sdelay $0x3  }
0x36: {  	p1 =	seq.s32 s10, $0x1;
	s10 =	sld [smem:$0x3FBA];
	_ =	sdelay $0x3  }
0x37: {  	[smem:$0x3FBA] =	sst s10  }
0x38: {  	s10 =	sld [smem:$0x3FBB]  }
0x39: {  	_ = 	snop;
	(pc) =	sbr.ind lr, $3  }
0x3a: {  	_ = 	snop  }
0x3b: {  	_ = 	snop  }
0x3c: {  	p2 =	seq.s32 s10, $0x1;
	s10 =	sld [smem:$0x3FBA]  }
0x3d: {  	_ =	shalt  }
0x3e: {  	_ =	shalt  }
0x3f: {  	_ =	shalt  }
0x40: {  	_ =	shalt  }
0x41: {  	_ =	shalt  }
0x42: {  	_ =	shalt  }
0x43: {  	_ =	shalt  }
0x44: {  	_ =	shalt  }
0x45: {  	_ =	shalt  }
0x46: {  	_ =	shalt  }
0x47: {  	_ =	shalt  }
0x48: {  	_ =	shalt  }
0x49: {  	_ =	shalt  }
0x4a: {  	_ =	shalt  }
0x4b: {  	_ =	shalt  }
0x4c: {  	_ =	shalt  }
0x4d: {  	_ =	shalt  }
0x4e: {  	_ =	shalt  }
0x4f: {  	_ =	shalt  }
0x50: {  	_ =	shalt  }
0x51: {  	_ =	shalt  }
0x52: {  	_ =	shalt  }
0x53: {  	_ =	shalt  }
0x54: {  	_ =	shalt  }
0x55: {  	_ =	shalt  }
0x56: {  	_ =	shalt  }
0x57: {  	_ =	shalt  }
0x58: {  	_ =	shalt  }
0x59: {  	_ =	shalt  }
0x5a: {  	_ =	shalt  }
0x5b: {  	_ =	shalt  }
0x5c: {  	_ =	shalt  }
0x5d: {  	_ =	shalt  }
0x5e: {  	_ =	shalt  }
0x5f: {  	_ =	shalt  }
0x60: {  	_ =	shalt  }
0x61: {  	_ =	shalt  }
0x62: {  	_ =	shalt  }
0x63: {  	_ =	shalt  }
0x64: {  	_ =	shalt  }
0x65: {  	_ =	shalt  }
0x66: {  	_ =	shalt  }
0x67: {  	_ =	shalt  }
0x68: {  	_ =	shalt  }
0x69: {  	_ =	shalt  }
0x6a: {  	_ =	shalt  }
0x6b: {  	_ =	shalt  }
0x6c: {  	_ =	shalt  }
0x6d: {  	_ =	shalt  }
0x6e: {  	_ =	shalt  }
0x6f: {  	_ =	shalt  }
0x70: {  	_ =	shalt  }
0x71: {  	_ =	shalt  }
0x72: {  	_ =	shalt  }
0x73: {  	_ =	shalt  }
0x74: {  	_ =	shalt  }
0x75: {  	_ =	shalt  }
0x76: {  	_ =	shalt  }
0x77: {  	_ =	shalt  }
0x78: {  	_ =	shalt  }
0x79: {  	_ =	shalt  }
0x7a: {  	_ =	shalt  }
0x7b: {  	_ =	shalt  }
0x7c: {  	_ =	shalt  }
0x7d: {  	_ =	shalt  }
0x7e: {  	_ =	shalt  }
0x7f: {  	_ =	shalt  }
0x80: {  	_ =	shalt  }
0x81: {  	_ =	shalt  }
0x82: {  	_ =	shalt  }
0x83: {  	_ =	shalt  }
0x84: {  	_ =	shalt  }
0x85: {  	_ =	shalt  }
0x86: {  	_ =	shalt  }
0x87: {  	_ =	shalt  }
.Lfunc_end0:
.L_simem_size_0:
called_computation_lowered:
.L_overlay_start_0:
0x88: {  	s2 =	sld [smem:$0x3FD9]  }
0x89: {  	s3 =	sld [smem:$0x3FFE];
	_ =	sdelay $0x1  }
0x8a: {  	s1 =	srdreg.scid  }
0x8b: {  	s0 =	sand.u32 $0x1, s1  }
0x8c: {  	s17 =	sshll.u32 s0, $0xA;
	s2 =	sadd.s32 s3, s2  }
0x8d: {  	s2 =	sadd.s32 s2, s17  }
0x8e: {  	[smem:$0x3FC6] =	sst s2  }
0x8f: {  	_ = 	snop  }
0x90: {  	s2 =	sld [smem:$0x3FC9]  }
0x91: {  	s18 =	sld [smem:$0x3FD0];
	(tm) =	ssettm $0x1  }
0x92: {  	s4 =	sld [smem:$0x3FFB];
	_ =	sdelay $0x3  }
0x93: {  	_ =	strace s4  }
0x94: {  	s4 =	sld [smem:$0x3FFC];
	_ =	sdelay $0x3  }
0x95: {  	_ =	strace s4  }
0x96: {  	s4 =	sld [smem:$0x3FFD];
	_ =	sdelay $0x3  }
0x97: {  	_ =	strace s4  }
0x98: {  	_ =	strace $0x8FFFFFFF  }
0x99: {  	s19 =	sld [smem:$0x3FDB];
	_ =	sdelay $0x1  }
0x9a: {  	s5 =	simm.s32 $_scs_section_size  }
0x9b: {  	s6 =	simm.s32 $_size__tile_overlayer_lowered;
	s7 =	simm.s32 $_tile_overlayer_lowered  }
0x9c: {  	s22 =	simm.s32 $0x1BFF;
	s21 =	sshll.u32 s7, $0x1;
	s4 =	sadd.s32 s5, s19  }
0x9d: {  	s8 =	simm.s32 $0x0;
	s20 =	sshll.u32 s6, $0x1;
	s6 =	sadd.s32 s21, s4  }
0x9e: {  	[timem:s8], [sflag:s22] =	dma.local [hbm:s6], s20  }
0x9f: {  	_ =	swait.ge [sflag:s22], s20  }
0xa0: {  	s5 =	ssub.s32 $0x0, s20;
	[sflag:s22] =	ssyncset.done $0x0  }
0xa1: {  	[sflag:s22] =	ssyncadd.s32 s5;
	_ =	sdelay $0x1  }
0xa2: {  	s23 =	simm.s32 $0x1B8B  }
0xa3: {  	_ =	swait.ge [sflag:s23], $0x1  }
0xa4: {  	[sflag:s23] =	ssyncset.done $0x0  }
0xa5: {  	s25 =	simm.s32 $0x1B8E;
	s24 =	sld [smem:$0x3FFE];
	[sflag:s23] =	ssyncadd.s32 $0xFFFFFFFF  }
0xa6: {  	s26 =	simm.s32 $execute0_lowered;
	[smem:$0x3FD2] =	sst s25  }
0xa7: {  	s6 =	sshll.u32 s26, $0x1;
	_ =	strace $0x80000046;
	[dreg:$0x1] =	wrdreg $0xFFFFFFFF  }
0xa8: {  	s28 =	simm.s32 $_size_execute0_lowered;
	s4 =	sadd.s32 s4, s6;
	[dreg:$0x0] =	wrdreg $0x0  }
0xa9: {  	s6 =	sshll.u32 s28, $0x1;
	[dreg:$0x2] =	wrdreg s4  }
0xaa: {  	[dreg:$0x3] =	wrdreg s6  }
0xab: {  	[dreg:$0x4] =	wrdreg $0xC0  }
0xac: {  	_ =	task [dreg:s8], $0x5FFFF  }
0xad: {  	[dreg:$0x1] =	wrdreg $0xFFFFFFFF  }
0xae: {  	[dreg:$0x0] =	wrdreg $0x60  }
0xaf: {  	[dreg:$0x2] =	wrdreg s2  }
0xb0: {  	[dreg:$0x3] =	wrdreg s18  }
0xb1: {  	[dreg:$0x4] =	wrdreg s24  }
0xb2: {  	[dreg:$0x5] =	wrdreg $0xA8000  }
0xb3: {  	[dreg:$0x6] =	wrdreg $0x9  }
0xb4: {  	_ =	task.clear_ibuf [dreg:s8], $0x7FFFF;
	_ =	strace $0x90000046  }
0xb5: {  	s29 =	simm.s32 $0x9;
	_ =	strace $0x80000048  }
0xb6: {  	_ =	swait.ge [sflag:s29], $0x1  }
0xb7: {  	[sflag:s29] =	ssyncadd.s32 $0xFFFFFFFF  }
0xb8: {  	_ =	strace $0x90000048  }
0xb9: {  	_ =	sfence  }
0xba: {  	s30 =	sld [smem:$0x0];
	_ =	sdelay $0x2  }
0xbb: {  	s31 =	sshll.u32 s1, $0xD;
	s1 =	sshrl.u32 s1, $0x2  }
0xbc: {  	s3 =	sand.u32 $0x4000, s31;
	s1 =	sadd.s32 s1, s30  }
0xbd: {  	s0 =	sor.u32 s3, s0;
	s1 =	sshll.u32 s1, $0x11  }
0xbe: {  	s0 =	sor.u32 s1, s0  }
0xbf: {  	s0 =	sadd.s32 $0x8F2B, s0  }
0xc0: {  	[sflag:s0] =	ssyncadd.remote.s32 $0x1  }
0xc1: {  	_ =	sfence.sel $0xFFFF  }
0xc2: {  	[dreg:$0x0] =	wrdreg $0xFFFFFFFF;
	(pc) =	sbr.abs _section_cstart, $3  }
0xc3: {  	[dreg:$0x1] =	wrdreg $0xFFFFFFFF  }
0xc4: {  	_ =	task.clear_ibuf [dreg:s8], $0x2FFFF;
	_ =	strace $0x9FFFFFFF  }
0xc5: {  	(tm) =	ssettm $0x7FFFFFFF  }
tec
execute0_lowered:
.L_overlay_start_1:
0x0: {  	(tag) =	ssettag $0x1  }
0x1: {  	s1 =	rddreg [dreg:$0x0]  }
0x2: {  	s0 =	rddreg [dreg:$0x1]  }
0x3: {  	s5 =	rddreg [dreg:$0x2]  }
0x4: {  	s2 =	rddreg [dreg:$0x3]  }
0x5: {  	s3 =	simm.s32 $0x0;
	s4 =	srdreg.scid;
	s19 =	simm.s32 $0x1400  }
0x6: {  	s20 =	simm.s32 $0x40;
	s21 =	simm.s32 $0x4800;
	s28 =	simm.s32 $0x1  }
0x7: {  	s29 =	simm.s32 $0x2;
	s30 =	simm.s32 $0x3;
	s31 =	simm.s32 $0x4  }
0x8: {  	[smem:$0x7FF] =	sst s3;
	s6 =	sand.u32 $0x1, s4;
	s4 =	stileid.u32  }
0x9: {  	s15 =	sadd.s32 $0x9B00, s0;
	s7 =	smul.u32 $0x28000, s6;
	_ =	strace $0x80000047  }
0xa: {  	s8 =	smul.u32 $0x50000, s4;
	s22 =	ssub.s32 $0x2, s6;
	s6 =	sshll.u32 s6, $0x4  }
0xb: {  	s16 =	smul.u32 $0x14000, s4;
	s17 =	sor.u32 s4, s6;
	s24 =	sshrl.u32 s22, $0x1  }
0xc: {  	s12 =	sadd.s32 s7, s5;
	s23 =	sshrl.u32 s8, $0x2;
	s9 =	smul.u32 $0x2800, s17  }
0xd: {  	s18 =	ssub.s32 s22, s24;
	s5 =	sadd.s32 s16, s2;
	s8 =	smul.u32 $0x500, s17  }
0xe: {  	s26 =	sshrl.u32 s16, $0x3;
	p0 =	sne.s32 s17, $0x1F;
	s17 =	simm.s32 $0x2800  }
0xf: {  	s22 =	simm.s32 $0x80;
	s10 =	sadd.s32 s23, s2;
	s25 =	sadd.s32 $0x600, s12  }
0x10: {  	s16 =	smax.u32 s18, $0x1;
	s18 =	simm.s32 $0x5;
	s23 =	simm.s32 $0x6800  }
.Ltmp0:
0x11: {  	s6 =	sadd.s32 $0x4000, s10;
	s7 =	sadd.s32 $0x8000, s10;
	(pc) =	sbr.rel .LBB2_1-.Ltmp0, $4  }
0x12: {  	s11 =	sshrl.u32 s9, $0x3;
	s9 =	sadd.s32 $0xC000, s10;
	s10 =	sadd.s32 $0x10000, s10  }
0x13: {  	s13 =	sadd.s32 s0, s8;
	s24 =	sadd.s32 s26, s25;
	s11 =	sadd.s32 $0x280, s11  }
0x14: {  	s25 =	simm.s32 $0xC0;
	[dreg:$0x5] =	wrdreg s13;
	s14 =	sadd.s32 s0, s11  }
0x15: {  	v0 =	vimm.f32 $0.0e+00;
	s26 =	simm.s32 $0x8800;
	s13 =	sadd.s32 $0x9C40, s0;
	[dreg:$0x6] =	wrdreg s14  }
.LBB2_6:
0x16: {  	[tilespmem:s26], [sflag:$0x4] =	stream.indirect.gather [hbm4b:s1+s20], $0x80, s12, s20, $0xb8;
	[tilespmem:$0x1E800] =	vst v63  }
0x17: {  	s0 =	simm.s32 $0x1D80;
	s12 =	simm.s32 $0x1D00  }
.LBB2_12:
0x18: {  	_ =	swait.ge [sflag:s28], $0x2000  }
0x19: {  	[sflag:s28] =	ssyncset.done $0x0  }
0x1a: {  	[sflag:s28] =	ssyncadd.s32 $0xFFFFE000  }
0x1b: {  	_ =	swait.ge [sflag:s29], $0x2000  }
0x1c: {  	[sflag:s29] =	ssyncset.done $0x0  }
0x1d: {  	[sflag:s29] =	ssyncadd.s32 $0xFFFFE000  }
0x1e: {  	[spmem:s2] =	stream.indirect.scatter.add.f32 [tilespmem:s17], [sflag:$0x5], $0x80, s12, s22, $0xb8;
	[tilespmem:$0x1E800] =	vst v63  }
0x1f: {  	_ =	swait.ge [sflag:s18], $0x4000  }
0x20: {  	[sflag:s18] =	ssyncset.done $0x0  }
0x21: {  	[sflag:s18] =	ssyncadd.s32 $0xFFFFC000  }
0x22: {  	_ =	swait.ge [sflag:s30], $0x2000  }
0x23: {  	[sflag:s30] =	ssyncset.done $0x0  }
0x24: {  	[sflag:s30] =	ssyncadd.s32 $0xFFFFE000  }
0x25: {  	_ =	swait.ge [sflag:s31], $0x2000  }
0x26: {  	[sflag:s31] =	ssyncset.done $0x0  }
0x27: {  	[sflag:s31] =	ssyncadd.s32 $0xFFFFE000  }
0x28: {  	[spmem:s2] =	stream.indirect.scatter.add.f32 [tilespmem:s23], [sflag:$0x5], $0x80, s0, s22, $0xb8;
	[tilespmem:$0x1E800] =	vst v63  }
0x29: {  	_ =	swait.ge [sflag:s18], $0x4000  }
0x2a: {  	s14 =	sshrl.u32 s5, $0x3;
	s3 =	sadd.s32 $0x1, s3;
	[sflag:s18] =	ssyncset.done $0x0  }
0x2b: {  	p1 =	sne.s32 s3, s16;
	s12 =	sshll.u32 s4, $0x6;
	[sflag:s18] =	ssyncadd.s32 $0xFFFFC000  }
.Ltmp1:
0x2c: {  	s0 =	sor.u32 $0x1C05, s12;
	[bflag:$0x0] =	sbarrier.arrive $0xFFFF;
	(pc) =	sbr.rel @!p1 .LBB2_13-.Ltmp1, $4  }
0x2d: {  	[hbm:s24], [sflag:s0] =	dma.local [spmem:s14], $0x2800  }
0x2e: {  	_ =	swait.ge [sflag:s18], $0x2800  }
0x2f: {  	[sflag:s18] =	ssyncset.done $0x0  }
0x30: {  	[sflag:s18] =	ssyncadd.s32 $0xFFFFD800  }
.LBB2_1:
0x31: {  	s0 =	simm.s32 $0x0;
	s12 =	simm.s32 $0x200  }
.LBB2_2:
0x32: {  	p1 =	sne.s32 s12, $0xFE00;
	[tilespmem:s0+$0x2870] =	vst v0  }
0x33: {  	[tilespmem:s0+$0x2800] =	vst v0  }
0x34: {  	[tilespmem:s0+$0x2810] =	vst v0  }
.Ltmp2:
0x35: {  	[tilespmem:s0+$0x2820] =	vst v0;
	(pc) =	sbr.rel @p1 .LBB2_2-.Ltmp2, $4  }
0x36: {  	[tilespmem:s0+$0x2830] =	vst v0  }
0x37: {  	[tilespmem:s0+$0x2840] =	vst v0  }
0x38: {  	[tilespmem:s0+$0x2850] =	vst v0  }
0x39: {  	[tilespmem:s0+$0x2860] =	vst v0;
	s0 =	sshra.s32 s12, $0x2;
	s12 =	sadd.s32 $0x200, s12  }
0x3a: {  	[tilespmem:s0+$0x2870] =	vst v0  }
0x3b: {  	[tilespmem:s0+$0x2800] =	vst v0  }
0x3c: {  	[tilespmem:s0+$0x2810] =	vst v0  }
0x3d: {  	[tilespmem:s0+$0x2820] =	vst v0  }
0x3e: {  	[tilespmem:s0+$0x2830] =	vst v0  }
0x3f: {  	[tilespmem:s0+$0x2840] =	vst v0  }
0x40: {  	[tilespmem:s0+$0x2850] =	vst v0  }
0x41: {  	[tilespmem:s0+$0x2860] =	vst v0  }
0x42: {  	[spmem:s5] =	stream.linear.scatter [tilespmem:s17], [sflag:$0x5], $0x4000, $0x38;
	[tilespmem:$0x1E800] =	vst v63  }
0x43: {  	_ =	swait.ge [sflag:s18], $0x4000  }
0x44: {  	[sflag:s18] =	ssyncset.done $0x0  }
0x45: {  	[sflag:s18] =	ssyncadd.s32 $0xFFFFC000  }
0x46: {  	[spmem:s6] =	stream.linear.scatter [tilespmem:s17], [sflag:$0x5], $0x4000, $0x38;
	[tilespmem:$0x1E800] =	vst v63  }
0x47: {  	_ =	swait.ge [sflag:s18], $0x4000  }
0x48: {  	[sflag:s18] =	ssyncset.done $0x0  }
0x49: {  	[sflag:s18] =	ssyncadd.s32 $0xFFFFC000  }
0x4a: {  	[spmem:s7] =	stream.linear.scatter [tilespmem:s17], [sflag:$0x5], $0x4000, $0x38;
	[tilespmem:$0x1E800] =	vst v63  }
0x4b: {  	_ =	swait.ge [sflag:s18], $0x4000  }
0x4c: {  	[sflag:s18] =	ssyncset.done $0x0  }
0x4d: {  	[sflag:s18] =	ssyncadd.s32 $0xFFFFC000  }
0x4e: {  	[spmem:s9] =	stream.linear.scatter [tilespmem:s17], [sflag:$0x5], $0x4000, $0x38;
	[tilespmem:$0x1E800] =	vst v63  }
0x4f: {  	_ =	swait.ge [sflag:s18], $0x4000  }
0x50: {  	[sflag:s18] =	ssyncset.done $0x0  }
0x51: {  	[sflag:s18] =	ssyncadd.s32 $0xFFFFC000  }
0x52: {  	[spmem:s10] =	stream.linear.scatter [tilespmem:s17], [sflag:$0x5], $0x4000, $0x38;
	[tilespmem:$0x1E800] =	vst v63  }
.Ltmp3:
0x53: {  	_ =	swait.ge [sflag:s18], $0x4000;
	(pc) =	sbr.rel @p0 .LBB2_7-.Ltmp3, $4  }
0x54: {  	[sflag:s18] =	ssyncset.done $0x0  }
0x55: {  	[sflag:s18] =	ssyncadd.s32 $0xFFFFC000  }
0x56: {  	[bflag:$0x0] =	sbarrier.arrive $0xFFFF  }
0x57: {  	s0 =	simm.s32 $0x0  }
0x58: {  	[tilespmem:s0], [sflag:$0x5] =	stream.linear.gather [hbm4b:s15+s0], $0xA00, $0x38;
	[tilespmem:$0x1E800] =	vst v63  }
0x59: {  	_ =	swait.ge [sflag:s18], $0xA00  }
0x5a: {  	[sflag:s18] =	ssyncset.done $0x0  }
0x5b: {  	s12 =	sadd.s32 $0x9B00, s13;
	[sflag:s18] =	ssyncadd.s32 $0xFFFFF600  }
0x5c: {  	[tilespmem:s19], [sflag:$0x5] =	stream.linear.gather [hbm4b:s12+s0], $0xA00, $0x38;
	[tilespmem:$0x1E800] =	vst v63  }
0x5d: {  	_ =	swait.ge [sflag:s18], $0xA00  }
0x5e: {  	[sflag:s18] =	ssyncset.done $0x0  }
0x5f: {  	[sflag:s18] =	ssyncadd.s32 $0xFFFFF600  }
0x60: {  	[tilespmem:s17], [sflag:$0x1] =	stream.indirect.gather [hbm4b:s1+s20], $0x80, s0, s20, $0xb8;
	[tilespmem:$0x1E800] =	vst v63  }
0x61: {  	_ = 	snop  }
0x62: {  	[tilespmem:s21], [sflag:$0x2] =	stream.indirect.gather [hbm4b:s1+s20], $0x80, s20, s20, $0xb8;
	[tilespmem:$0x1E800] =	vst v63  }
0x63: {  	_ = 	snop  }
0x64: {  	[tilespmem:s23], [sflag:$0x3] =	stream.indirect.gather [hbm4b:s1+s20], $0x80, s22, s20, $0xb8;
	[tilespmem:$0x1E800] =	vst v63  }
0x65: {  	_ = 	snop  }
0x66: {  	[tilespmem:s26], [sflag:$0x4] =	stream.indirect.gather [hbm4b:s1+s20], $0x80, s25, s20, $0xb8;
	[tilespmem:$0x1E800] =	vst v63  }
0x67: {  	_ =	swait.ge [sflag:s28], $0x2000  }
0x68: {  	[sflag:s28] =	ssyncset.done $0x0  }
0x69: {  	[sflag:s28] =	ssyncadd.s32 $0xFFFFE000  }
0x6a: {  	_ =	swait.ge [sflag:s29], $0x2000  }
0x6b: {  	[sflag:s29] =	ssyncset.done $0x0  }
0x6c: {  	s14 =	simm.s32 $0x1400;
	[sflag:s29] =	ssyncadd.s32 $0xFFFFE000  }
0x6d: {  	[spmem:s2] =	stream.indirect.scatter.add.f32 [tilespmem:s17], [sflag:$0x5], $0x80, s14, s22, $0xb8;
	[tilespmem:$0x1E800] =	vst v63  }
0x6e: {  	_ =	swait.ge [sflag:s18], $0x4000  }
0x6f: {  	[sflag:s18] =	ssyncset.done $0x0  }
0x70: {  	s12 =	simm.s32 $0x100;
	[sflag:s18] =	ssyncadd.s32 $0xFFFFC000  }
0x71: {  	[tilespmem:s17], [sflag:$0x1] =	stream.indirect.gather [hbm4b:s1+s20], $0x80, s12, s20, $0xb8;
	[tilespmem:$0x1E800] =	vst v63  }
0x72: {  	s14 =	simm.s32 $0x140  }
0x73: {  	[tilespmem:s21], [sflag:$0x2] =	stream.indirect.gather [hbm4b:s1+s20], $0x80, s14, s20, $0xb8;
	[tilespmem:$0x1E800] =	vst v63  }
0x74: {  	_ =	swait.ge [sflag:s30], $0x2000  }
0x75: {  	[sflag:s30] =	ssyncset.done $0x0  }
0x76: {  	[sflag:s30] =	ssyncadd.s32 $0xFFFFE000  }
0x77: {  	_ =	swait.ge [sflag:s31], $0x2000  }
0x78: {  	[sflag:s31] =	ssyncset.done $0x0  }
0x79: {  	p1 =	por $0x0, $0x0;
	s12 =	simm.s32 $0x1480;
	[sflag:s31] =	ssyncadd.s32 $0xFFFFE000  }
0x7a: {  	[spmem:s2] =	stream.indirect.scatter.add.f32 [tilespmem:s23], [sflag:$0x5], $0x80, s12, s22, $0xb8;
	[tilespmem:$0x1E800] =	vst v63  }
.Ltmp4:
0x7b: {  	_ = 	snop;
	(pc) =	sbr.rel @p1 .LBB2_6-.Ltmp4, $4  }
0x7c: {  	_ =	swait.ge [sflag:s18], $0x4000  }
0x7d: {  	s0 =	simm.s32 $0x400;
	[sflag:s18] =	ssyncset.done $0x0  }
0x7e: {  	s14 =	simm.s32 $0x180;
	s12 =	simm.s32 $0x1C0;
	[sflag:s18] =	ssyncadd.s32 $0xFFFFC000  }
0x7f: {  	[tilespmem:s23], [sflag:$0x3] =	stream.indirect.gather [hbm4b:s1+s20], $0x80, s14, s20, $0xb8;
	[tilespmem:$0x1E800] =	vst v63  }
.LBB2_5:
0x80: {  	[tilespmem:s26], [sflag:$0x4] =	stream.indirect.gather [hbm4b:s1+s20], $0x80, s12, s20, $0xb8;
	[tilespmem:$0x1E800] =	vst v63  }
0x81: {  	s12 =	smov.u32 s0  }
0x82: {  	p1 =	seq.s32 s0, $0x2000;
	s0 =	sadd.s32 $0x400, s0;
	_ =	swait.ge [sflag:s28], $0x2000  }
0x83: {  	[sflag:s28] =	ssyncset.done $0x0  }
0x84: {  	[sflag:s28] =	ssyncadd.s32 $0xFFFFE000  }
0x85: {  	_ =	swait.ge [sflag:s29], $0x2000  }
0x86: {  	s12 =	sshra.s32 s12, $0x2;
	[sflag:s29] =	ssyncset.done $0x0  }
0x87: {  	s14 =	sadd.s32 $0x1400, s12;
	[sflag:s29] =	ssyncadd.s32 $0xFFFFE000  }
0x88: {  	[spmem:s2] =	stream.indirect.scatter.add.f32 [tilespmem:s17], [sflag:$0x5], $0x80, s14, s22, $0xb8;
	[tilespmem:$0x1E800] =	vst v63  }
0x89: {  	_ =	swait.ge [sflag:s18], $0x4000  }
0x8a: {  	[sflag:s18] =	ssyncset.done $0x0  }
0x8b: {  	s14 =	sadd.s32 $0x100, s12;
	[sflag:s18] =	ssyncadd.s32 $0xFFFFC000  }
0x8c: {  	[tilespmem:s17], [sflag:$0x1] =	stream.indirect.gather [hbm4b:s1+s20], $0x80, s14, s20, $0xb8;
	[tilespmem:$0x1E800] =	vst v63  }
0x8d: {  	s14 =	sadd.s32 $0x140, s12  }
0x8e: {  	[tilespmem:s21], [sflag:$0x2] =	stream.indirect.gather [hbm4b:s1+s20], $0x80, s14, s20, $0xb8;
	[tilespmem:$0x1E800] =	vst v63  }
0x8f: {  	_ =	swait.ge [sflag:s30], $0x2000  }
0x90: {  	[sflag:s30] =	ssyncset.done $0x0  }
0x91: {  	[sflag:s30] =	ssyncadd.s32 $0xFFFFE000  }
0x92: {  	_ =	swait.ge [sflag:s31], $0x2000  }
0x93: {  	[sflag:s31] =	ssyncset.done $0x0  }
0x94: {  	s14 =	sadd.s32 $0x1480, s12;
	[sflag:s31] =	ssyncadd.s32 $0xFFFFE000  }
0x95: {  	[spmem:s2] =	stream.indirect.scatter.add.f32 [tilespmem:s23], [sflag:$0x5], $0x80, s14, s22, $0xb8;
	[tilespmem:$0x1E800] =	vst v63  }
.Ltmp5:
0x96: {  	_ =	swait.ge [sflag:s18], $0x4000;
	(pc) =	sbr.rel @!p1 .LBB2_5-.Ltmp5, $4  }
0x97: {  	[sflag:s18] =	ssyncset.done $0x0  }
0x98: {  	s14 =	sadd.s32 $0x180, s12;
	[sflag:s18] =	ssyncadd.s32 $0xFFFFC000  }
0x99: {  	[tilespmem:s23], [sflag:$0x3] =	stream.indirect.gather [hbm4b:s1+s20], $0x80, s14, s20, $0xb8;
	[tilespmem:$0x1E800] =	vst v63  }
0x9a: {  	s12 =	sadd.s32 $0x1C0, s12  }
.Ltmp6:
0x9b: {  	_ = 	snop;
	(pc) =	sbr.rel .LBB2_6-.Ltmp6, $1  }
0x9c: {  	_ =	sdelay $0x3  }
.LBB2_7:
0x9d: {  	s12 =	rddreg [dreg:$0x5]  }
0x9e: {  	[tilespmem:s0], [sflag:$0x5] =	stream.linear.gather [hbm4b:s12+s0], $0x1400, $0x38;
	[tilespmem:$0x1E800] =	vst v63  }
0x9f: {  	_ =	swait.ge [sflag:s18], $0x1400  }
0xa0: {  	[sflag:s18] =	ssyncset.done $0x0  }
0xa1: {  	s14 =	sadd.s32 s8, s13;
	[sflag:s18] =	ssyncadd.s32 $0xFFFFEC00  }
0xa2: {  	[tilespmem:s19], [sflag:$0x5] =	stream.linear.gather [hbm4b:s14+s0], $0x1400, $0x38;
	[tilespmem:$0x1E800] =	vst v63  }
0xa3: {  	_ =	swait.ge [sflag:s18], $0x1400  }
0xa4: {  	[sflag:s18] =	ssyncset.done $0x0  }
0xa5: {  	[sflag:s18] =	ssyncadd.s32 $0xFFFFEC00  }
0xa6: {  	[tilespmem:s17], [sflag:$0x1] =	stream.indirect.gather [hbm4b:s1+s20], $0x80, s0, s20, $0xb8;
	[tilespmem:$0x1E800] =	vst v63  }
0xa7: {  	_ = 	snop  }
0xa8: {  	[tilespmem:s21], [sflag:$0x2] =	stream.indirect.gather [hbm4b:s1+s20], $0x80, s20, s20, $0xb8;
	[tilespmem:$0x1E800] =	vst v63  }
0xa9: {  	_ = 	snop  }
0xaa: {  	[tilespmem:s23], [sflag:$0x3] =	stream.indirect.gather [hbm4b:s1+s20], $0x80, s22, s20, $0xb8;
	[tilespmem:$0x1E800] =	vst v63  }
0xab: {  	_ = 	snop  }
0xac: {  	[tilespmem:s26], [sflag:$0x4] =	stream.indirect.gather [hbm4b:s1+s20], $0x80, s25, s20, $0xb8;
	[tilespmem:$0x1E800] =	vst v63  }
0xad: {  	_ =	swait.ge [sflag:s28], $0x2000  }
0xae: {  	[sflag:s28] =	ssyncset.done $0x0  }
0xaf: {  	[sflag:s28] =	ssyncadd.s32 $0xFFFFE000  }
0xb0: {  	_ =	swait.ge [sflag:s29], $0x2000  }
0xb1: {  	[sflag:s29] =	ssyncset.done $0x0  }
0xb2: {  	s14 =	simm.s32 $0x1400;
	[sflag:s29] =	ssyncadd.s32 $0xFFFFE000  }
0xb3: {  	[spmem:s2] =	stream.indirect.scatter.add.f32 [tilespmem:s17], [sflag:$0x5], $0x80, s14, s22, $0xb8;
	[tilespmem:$0x1E800] =	vst v63  }
0xb4: {  	_ =	swait.ge [sflag:s18], $0x4000  }
0xb5: {  	[sflag:s18] =	ssyncset.done $0x0  }
0xb6: {  	s12 =	simm.s32 $0x100;
	[sflag:s18] =	ssyncadd.s32 $0xFFFFC000  }
0xb7: {  	[tilespmem:s17], [sflag:$0x1] =	stream.indirect.gather [hbm4b:s1+s20], $0x80, s12, s20, $0xb8;
	[tilespmem:$0x1E800] =	vst v63  }
0xb8: {  	s14 =	simm.s32 $0x140  }
0xb9: {  	[tilespmem:s21], [sflag:$0x2] =	stream.indirect.gather [hbm4b:s1+s20], $0x80, s14, s20, $0xb8;
	[tilespmem:$0x1E800] =	vst v63  }
0xba: {  	_ =	swait.ge [sflag:s30], $0x2000  }
0xbb: {  	[sflag:s30] =	ssyncset.done $0x0  }
0xbc: {  	[sflag:s30] =	ssyncadd.s32 $0xFFFFE000  }
0xbd: {  	_ =	swait.ge [sflag:s31], $0x2000  }
0xbe: {  	[sflag:s31] =	ssyncset.done $0x0  }
0xbf: {  	s12 =	simm.s32 $0x1480;
	[sflag:s31] =	ssyncadd.s32 $0xFFFFE000  }
0xc0: {  	[spmem:s2] =	stream.indirect.scatter.add.f32 [tilespmem:s23], [sflag:$0x5], $0x80, s12, s22, $0xb8;
	[tilespmem:$0x1E800] =	vst v63  }
0xc1: {  	_ =	swait.ge [sflag:s18], $0x4000  }
0xc2: {  	s0 =	simm.s32 $0x400;
	[sflag:s18] =	ssyncset.done $0x0  }
0xc3: {  	s14 =	simm.s32 $0x180;
	s12 =	simm.s32 $0x1C0;
	[sflag:s18] =	ssyncadd.s32 $0xFFFFC000  }
0xc4: {  	[tilespmem:s23], [sflag:$0x3] =	stream.indirect.gather [hbm4b:s1+s20], $0x80, s14, s20, $0xb8;
	[tilespmem:$0x1E800] =	vst v63  }
.LBB2_8:
0xc5: {  	[tilespmem:s26], [sflag:$0x4] =	stream.indirect.gather [hbm4b:s1+s20], $0x80, s12, s20, $0xb8;
	[tilespmem:$0x1E800] =	vst v63  }
0xc6: {  	s12 =	smov.u32 s0  }
0xc7: {  	p1 =	sne.s32 s0, $0x4800;
	s0 =	sadd.s32 $0x400, s0;
	_ =	swait.ge [sflag:s28], $0x2000  }
0xc8: {  	[sflag:s28] =	ssyncset.done $0x0  }
0xc9: {  	[sflag:s28] =	ssyncadd.s32 $0xFFFFE000  }
0xca: {  	_ =	swait.ge [sflag:s29], $0x2000  }
0xcb: {  	s12 =	sshra.s32 s12, $0x2;
	[sflag:s29] =	ssyncset.done $0x0  }
0xcc: {  	s14 =	sadd.s32 $0x1400, s12;
	[sflag:s29] =	ssyncadd.s32 $0xFFFFE000  }
0xcd: {  	[spmem:s2] =	stream.indirect.scatter.add.f32 [tilespmem:s17], [sflag:$0x5], $0x80, s14, s22, $0xb8;
	[tilespmem:$0x1E800] =	vst v63  }
0xce: {  	_ =	swait.ge [sflag:s18], $0x4000  }
0xcf: {  	[sflag:s18] =	ssyncset.done $0x0  }
0xd0: {  	s14 =	sadd.s32 $0x100, s12;
	[sflag:s18] =	ssyncadd.s32 $0xFFFFC000  }
0xd1: {  	[tilespmem:s17], [sflag:$0x1] =	stream.indirect.gather [hbm4b:s1+s20], $0x80, s14, s20, $0xb8;
	[tilespmem:$0x1E800] =	vst v63  }
0xd2: {  	s14 =	sadd.s32 $0x140, s12  }
0xd3: {  	[tilespmem:s21], [sflag:$0x2] =	stream.indirect.gather [hbm4b:s1+s20], $0x80, s14, s20, $0xb8;
	[tilespmem:$0x1E800] =	vst v63  }
0xd4: {  	_ =	swait.ge [sflag:s30], $0x2000  }
0xd5: {  	[sflag:s30] =	ssyncset.done $0x0  }
0xd6: {  	[sflag:s30] =	ssyncadd.s32 $0xFFFFE000  }
0xd7: {  	_ =	swait.ge [sflag:s31], $0x2000  }
0xd8: {  	[sflag:s31] =	ssyncset.done $0x0  }
0xd9: {  	s14 =	sadd.s32 $0x1480, s12;
	[sflag:s31] =	ssyncadd.s32 $0xFFFFE000  }
0xda: {  	[spmem:s2] =	stream.indirect.scatter.add.f32 [tilespmem:s23], [sflag:$0x5], $0x80, s14, s22, $0xb8;
	[tilespmem:$0x1E800] =	vst v63  }
.Ltmp7:
0xdb: {  	_ =	swait.ge [sflag:s18], $0x4000;
	(pc) =	sbr.rel @p1 .LBB2_8-.Ltmp7, $4  }
0xdc: {  	[sflag:s18] =	ssyncset.done $0x0  }
0xdd: {  	s14 =	sadd.s32 $0x180, s12;
	[sflag:s18] =	ssyncadd.s32 $0xFFFFC000  }
0xde: {  	[tilespmem:s23], [sflag:$0x3] =	stream.indirect.gather [hbm4b:s1+s20], $0x80, s14, s20, $0xb8;
	[tilespmem:$0x1E800] =	vst v63  }
0xdf: {  	s12 =	sadd.s32 $0x1C0, s12  }
0xe0: {  	[tilespmem:s26], [sflag:$0x4] =	stream.indirect.gather [hbm4b:s1+s20], $0x80, s12, s20, $0xb8;
	[tilespmem:$0x1E800] =	vst v63  }
0xe1: {  	_ =	swait.ge [sflag:s28], $0x2000  }
0xe2: {  	[sflag:s28] =	ssyncset.done $0x0  }
0xe3: {  	[sflag:s28] =	ssyncadd.s32 $0xFFFFE000  }
0xe4: {  	_ =	swait.ge [sflag:s29], $0x2000  }
0xe5: {  	[sflag:s29] =	ssyncset.done $0x0  }
0xe6: {  	s0 =	simm.s32 $0x2700;
	[sflag:s29] =	ssyncadd.s32 $0xFFFFE000  }
0xe7: {  	[spmem:s2] =	stream.indirect.scatter.add.f32 [tilespmem:s17], [sflag:$0x5], $0x80, s0, s22, $0xb8;
	[tilespmem:$0x1E800] =	vst v63  }
0xe8: {  	_ =	swait.ge [sflag:s18], $0x4000  }
0xe9: {  	[sflag:s18] =	ssyncset.done $0x0  }
0xea: {  	[sflag:s18] =	ssyncadd.s32 $0xFFFFC000  }
0xeb: {  	_ =	swait.ge [sflag:s30], $0x2000  }
0xec: {  	[sflag:s30] =	ssyncset.done $0x0  }
0xed: {  	[sflag:s30] =	ssyncadd.s32 $0xFFFFE000  }
0xee: {  	_ =	swait.ge [sflag:s31], $0x2000  }
0xef: {  	[sflag:s31] =	ssyncset.done $0x0  }
0xf0: {  	s12 =	simm.s32 $0x2780;
	[sflag:s31] =	ssyncadd.s32 $0xFFFFE000  }
0xf1: {  	[spmem:s2] =	stream.indirect.scatter.add.f32 [tilespmem:s23], [sflag:$0x5], $0x80, s12, s22, $0xb8;
	[tilespmem:$0x1E800] =	vst v63  }
0xf2: {  	_ =	swait.ge [sflag:s18], $0x4000  }
0xf3: {  	[sflag:s18] =	ssyncset.done $0x0  }
0xf4: {  	s0 =	simm.s32 $0x0;
	s14 =	rddreg [dreg:$0x6];
	[sflag:s18] =	ssyncadd.s32 $0xFFFFC000  }
0xf5: {  	[tilespmem:s0], [sflag:$0x5] =	stream.linear.gather [hbm4b:s14+s0], $0x1400, $0x38;
	[tilespmem:$0x1E800] =	vst v63  }
0xf6: {  	_ =	swait.ge [sflag:s18], $0x1400  }
0xf7: {  	[sflag:s18] =	ssyncset.done $0x0  }
0xf8: {  	s14 =	sadd.s32 s11, s13;
	[sflag:s18] =	ssyncadd.s32 $0xFFFFEC00  }
0xf9: {  	[tilespmem:s19], [sflag:$0x5] =	stream.linear.gather [hbm4b:s14+s0], $0x1400, $0x38;
	[tilespmem:$0x1E800] =	vst v63  }
0xfa: {  	_ =	swait.ge [sflag:s18], $0x1400  }
0xfb: {  	[sflag:s18] =	ssyncset.done $0x0  }
0xfc: {  	[sflag:s18] =	ssyncadd.s32 $0xFFFFEC00  }
0xfd: {  	[tilespmem:s17], [sflag:$0x1] =	stream.indirect.gather [hbm4b:s1+s20], $0x80, s0, s20, $0xb8;
	[tilespmem:$0x1E800] =	vst v63  }
0xfe: {  	_ = 	snop  }
0xff: {  	[tilespmem:s21], [sflag:$0x2] =	stream.indirect.gather [hbm4b:s1+s20], $0x80, s20, s20, $0xb8;
	[tilespmem:$0x1E800] =	vst v63  }
0x100: {  	_ = 	snop  }
0x101: {  	[tilespmem:s23], [sflag:$0x3] =	stream.indirect.gather [hbm4b:s1+s20], $0x80, s22, s20, $0xb8;
	[tilespmem:$0x1E800] =	vst v63  }
0x102: {  	_ = 	snop  }
0x103: {  	[tilespmem:s26], [sflag:$0x4] =	stream.indirect.gather [hbm4b:s1+s20], $0x80, s25, s20, $0xb8;
	[tilespmem:$0x1E800] =	vst v63  }
0x104: {  	_ =	swait.ge [sflag:s28], $0x2000  }
0x105: {  	[sflag:s28] =	ssyncset.done $0x0  }
0x106: {  	[sflag:s28] =	ssyncadd.s32 $0xFFFFE000  }
0x107: {  	_ =	swait.ge [sflag:s29], $0x2000  }
0x108: {  	[sflag:s29] =	ssyncset.done $0x0  }
0x109: {  	s14 =	simm.s32 $0x1400;
	[sflag:s29] =	ssyncadd.s32 $0xFFFFE000  }
0x10a: {  	[spmem:s2] =	stream.indirect.scatter.add.f32 [tilespmem:s17], [sflag:$0x5], $0x80, s14, s22, $0xb8;
	[tilespmem:$0x1E800] =	vst v63  }
0x10b: {  	_ =	swait.ge [sflag:s18], $0x4000  }
0x10c: {  	[sflag:s18] =	ssyncset.done $0x0  }
0x10d: {  	s12 =	simm.s32 $0x100;
	[sflag:s18] =	ssyncadd.s32 $0xFFFFC000  }
0x10e: {  	[tilespmem:s17], [sflag:$0x1] =	stream.indirect.gather [hbm4b:s1+s20], $0x80, s12, s20, $0xb8;
	[tilespmem:$0x1E800] =	vst v63  }
0x10f: {  	s14 =	simm.s32 $0x140  }
0x110: {  	[tilespmem:s21], [sflag:$0x2] =	stream.indirect.gather [hbm4b:s1+s20], $0x80, s14, s20, $0xb8;
	[tilespmem:$0x1E800] =	vst v63  }
0x111: {  	_ =	swait.ge [sflag:s30], $0x2000  }
0x112: {  	[sflag:s30] =	ssyncset.done $0x0  }
0x113: {  	[sflag:s30] =	ssyncadd.s32 $0xFFFFE000  }
0x114: {  	_ =	swait.ge [sflag:s31], $0x2000  }
0x115: {  	[sflag:s31] =	ssyncset.done $0x0  }
0x116: {  	s12 =	simm.s32 $0x1480;
	[sflag:s31] =	ssyncadd.s32 $0xFFFFE000  }
0x117: {  	[spmem:s2] =	stream.indirect.scatter.add.f32 [tilespmem:s23], [sflag:$0x5], $0x80, s12, s22, $0xb8;
	[tilespmem:$0x1E800] =	vst v63  }
0x118: {  	_ =	swait.ge [sflag:s18], $0x4000  }
0x119: {  	s0 =	simm.s32 $0x400;
	[sflag:s18] =	ssyncset.done $0x0  }
0x11a: {  	s14 =	simm.s32 $0x180;
	s12 =	simm.s32 $0x1C0;
	[sflag:s18] =	ssyncadd.s32 $0xFFFFC000  }
0x11b: {  	[tilespmem:s23], [sflag:$0x3] =	stream.indirect.gather [hbm4b:s1+s20], $0x80, s14, s20, $0xb8;
	[tilespmem:$0x1E800] =	vst v63  }
.LBB2_10:
0x11c: {  	[tilespmem:s26], [sflag:$0x4] =	stream.indirect.gather [hbm4b:s1+s20], $0x80, s12, s20, $0xb8;
	[tilespmem:$0x1E800] =	vst v63  }
0x11d: {  	s12 =	smov.u32 s0  }
0x11e: {  	p1 =	sne.s32 s0, $0x4800;
	s0 =	sadd.s32 $0x400, s0;
	_ =	swait.ge [sflag:s28], $0x2000  }
0x11f: {  	[sflag:s28] =	ssyncset.done $0x0  }
0x120: {  	[sflag:s28] =	ssyncadd.s32 $0xFFFFE000  }
0x121: {  	_ =	swait.ge [sflag:s29], $0x2000  }
0x122: {  	s12 =	sshra.s32 s12, $0x2;
	[sflag:s29] =	ssyncset.done $0x0  }
0x123: {  	s14 =	sadd.s32 $0x1400, s12;
	[sflag:s29] =	ssyncadd.s32 $0xFFFFE000  }
0x124: {  	[spmem:s2] =	stream.indirect.scatter.add.f32 [tilespmem:s17], [sflag:$0x5], $0x80, s14, s22, $0xb8;
	[tilespmem:$0x1E800] =	vst v63  }
0x125: {  	_ =	swait.ge [sflag:s18], $0x4000  }
0x126: {  	[sflag:s18] =	ssyncset.done $0x0  }
0x127: {  	s14 =	sadd.s32 $0x100, s12;
	[sflag:s18] =	ssyncadd.s32 $0xFFFFC000  }
0x128: {  	[tilespmem:s17], [sflag:$0x1] =	stream.indirect.gather [hbm4b:s1+s20], $0x80, s14, s20, $0xb8;
	[tilespmem:$0x1E800] =	vst v63  }
0x129: {  	s14 =	sadd.s32 $0x140, s12  }
0x12a: {  	[tilespmem:s21], [sflag:$0x2] =	stream.indirect.gather [hbm4b:s1+s20], $0x80, s14, s20, $0xb8;
	[tilespmem:$0x1E800] =	vst v63  }
0x12b: {  	_ =	swait.ge [sflag:s30], $0x2000  }
0x12c: {  	[sflag:s30] =	ssyncset.done $0x0  }
0x12d: {  	[sflag:s30] =	ssyncadd.s32 $0xFFFFE000  }
0x12e: {  	_ =	swait.ge [sflag:s31], $0x2000  }
0x12f: {  	[sflag:s31] =	ssyncset.done $0x0  }
0x130: {  	s14 =	sadd.s32 $0x1480, s12;
	[sflag:s31] =	ssyncadd.s32 $0xFFFFE000  }
0x131: {  	[spmem:s2] =	stream.indirect.scatter.add.f32 [tilespmem:s23], [sflag:$0x5], $0x80, s14, s22, $0xb8;
	[tilespmem:$0x1E800] =	vst v63  }
.Ltmp8:
0x132: {  	_ =	swait.ge [sflag:s18], $0x4000;
	(pc) =	sbr.rel @p1 .LBB2_10-.Ltmp8, $4  }
0x133: {  	[sflag:s18] =	ssyncset.done $0x0  }
0x134: {  	s14 =	sadd.s32 $0x180, s12;
	[sflag:s18] =	ssyncadd.s32 $0xFFFFC000  }
0x135: {  	[tilespmem:s23], [sflag:$0x3] =	stream.indirect.gather [hbm4b:s1+s20], $0x80, s14, s20, $0xb8;
	[tilespmem:$0x1E800] =	vst v63  }
0x136: {  	s12 =	sadd.s32 $0x1C0, s12  }
.Ltmp9:
0x137: {  	(pc) =	sbr.rel .LBB2_12-.Ltmp9, $3  }
0x138: {  	_ =	sdelay $0x1  }
0x139: {  	[tilespmem:s26], [sflag:$0x4] =	stream.indirect.gather [hbm4b:s1+s20], $0x80, s12, s20, $0xb8;
	[tilespmem:$0x1E800] =	vst v63  }
0x13a: {  	s0 =	simm.s32 $0x2780;
	s12 =	simm.s32 $0x2700  }
.LBB2_13:
0x13b: {  	_ =	sfence.sel $0x180000  }
0x13c: {  	[bflag:$0x0] =	sbarrier.arrive $0xFFFF  }
0x13d: {  	_ =	strace $0x90000047  }
0x13e: {  	[bflag:$0x2] =	sbarrier.arrive $0xFFFF  }
0x13f: {  	p0 =	sne.s32 s4, $0x0;
	s0 =	rddreg [dreg:$0x4]  }
0x140: {  	s0 =	sadd.s32 @!p0 $0x100000, s0  }
0x141: {  	[sflag:s0] =	ssyncadd.tile.s32 @!p0 $0x1;
	_ =	shalt  }
.Lfunc_end2:
_tile_overlayer_lowered:
.L_overlay_start_2:
0x142: {  	(tag) =	ssettag $0x2  }
0x143: {  	s0 =	rddreg [dreg:$0x0];
	s2 =	stileid.u32  }
0x144: {  	s1 =	rddreg [dreg:$0x1];
	p0 =	sne.s32 s2, $0x0  }
0x145: {  	s3 =	rddreg [dreg:$0x2];
	[bflag:$0x3] =	sbarrier.arrive $0xFFFF;
	s2 =	simm.s32 @!p0 $0x1C05  }
0x146: {  	[timem:s3], [sflag:s2] =	dma.local @!p0 [hbm:s0], s1  }
0x147: {  	s0 =	simm.s32 @!p0 $0x5  }
0x148: {  	_ =	swait.ge @!p0 [sflag:s0], s1  }
0x149: {  	s1 =	ssub.s32 @!p0 $0x0, s1;
	[sflag:s0] =	ssyncset.done @!p0 $0x0  }
0x14a: {  	[sflag:s0] =	ssyncadd.s32 @!p0 s1  }
0x14b: {  	[bflag:$0x3] =	sbarrier.arrive $0xFFFF  }
0x14c: {  	_ =	shalt  }

</sc_bundles>
